<compile_context>
chip_gen: v7x
topology: tpu7x:2x2x1
jax: 0.10.2.dev20260603
libtpu: 0.0.44.dev20260713+nightly
codegen_flags: <defaults>
</compile_context>

<pallas_src>
import jax
import jax.numpy as jnp
from jax import lax
from jax.experimental import pallas as pl
from jax.experimental.pallas import tpu as pltpu
from jax.experimental.pallas import tpu_sc as plsc

N_NODES = 10000
N_PAD = 10240
N_EDGES = 320000
D = 128
NC, NS, L = 2, 16, 16
NW = NC * NS
CHUNK = 128
E_PER_W = 10240
E_TOTAL = NW * E_PER_W
NHALF = 2
E_PER_H = E_PER_W // NHALF
NCHUNK_H = E_PER_H // CHUNK
NPAIR_H = NCHUNK_H // 2 - 1
ROWS_PER_TILE = N_PAD // NS
ZCHUNK = 80
TC_BLK = 2048


def _sc_body(x_hbm, src_hbm, dst_hbm, z128_hbm, zo1_hbm,
             agg_hbm, deg_hbm,
             agg_sh, deg_sh, sidx_v, didx_v, rows0_v, rows1_v, ones_v,
             sem0, sem1):
    c = lax.axis_index("c")
    s = lax.axis_index("s")
    wid = s * NC + c
    base_r = s * ROWS_PER_TILE

    pltpu.sync_copy(z128_hbm, rows0_v)
    for k in range(ROWS_PER_TILE // ZCHUNK):
        pltpu.sync_copy(rows0_v.at[pl.ds(0, ZCHUNK)],
                        agg_sh.at[pl.ds(base_r + k * ZCHUNK, ZCHUNK)])

    pltpu.sync_copy(zo1_hbm.at[pl.ds(0, ROWS_PER_TILE)],
                    deg_sh.at[pl.ds(base_r, ROWS_PER_TILE)])
    pltpu.sync_copy(zo1_hbm.at[pl.ds(ROWS_PER_TILE, CHUNK)], ones_v)

    plsc.subcore_barrier()

    def _gather(ci, rows, sem):
        return pltpu.async_copy(
            x_hbm.at[sidx_v.at[pl.ds(ci * CHUNK, CHUNK)]], rows, sem)

    def _wait_gather(rows, sem):
        pltpu.make_async_copy(x_hbm.at[pl.ds(0, CHUNK)], rows, sem).wait()

    def _scatter(ci, rows):
        pltpu.sync_copy(rows, agg_sh.at[didx_v.at[ci]], add=True)
        pltpu.sync_copy(ones_v, deg_sh.at[didx_v.at[ci]], add=True)

    def _pair(g, carry):
        c0 = 2 * g
        _gather(c0 + 1, rows1_v, sem1)
        _wait_gather(rows0_v, sem0)
        _scatter(c0, rows0_v)
        _gather(c0 + 2, rows0_v, sem0)
        _wait_gather(rows1_v, sem1)
        _scatter(c0 + 1, rows1_v)
        return carry

    for h in range(NHALF):
        hid = wid * NHALF + h
        pltpu.sync_copy(src_hbm.at[hid], sidx_v)
        pltpu.sync_copy(dst_hbm.at[hid], didx_v)
        _gather(0, rows0_v, sem0)
        lax.fori_loop(0, NPAIR_H, _pair, 0)
        _gather(NCHUNK_H - 1, rows1_v, sem1)
        _wait_gather(rows0_v, sem0)
        _scatter(NCHUNK_H - 2, rows0_v)
        _wait_gather(rows1_v, sem1)
        _scatter(NCHUNK_H - 1, rows1_v)
    plsc.subcore_barrier()

    out_r = c * N_PAD + base_r
    pltpu.sync_copy(agg_sh.at[pl.ds(base_r, ROWS_PER_TILE)],
                    agg_hbm.at[pl.ds(out_r, ROWS_PER_TILE)])
    pltpu.sync_copy(deg_sh.at[pl.ds(base_r, ROWS_PER_TILE)],
                    deg_hbm.at[pl.ds(out_r, ROWS_PER_TILE)])


_sc_aggregate = pl.kernel(
    _sc_body,
    out_type=(
        jax.ShapeDtypeStruct((NC * N_PAD, D), jnp.float32),
        jax.ShapeDtypeStruct((NC * N_PAD,), jnp.float32),
    ),
    mesh=plsc.VectorSubcoreMesh(core_axis_name="c", subcore_axis_name="s"),
    scratch_types=(
        pltpu.VMEM_SHARED((N_PAD, D), jnp.float32),
        pltpu.VMEM_SHARED((N_PAD,), jnp.float32),
        pltpu.VMEM((E_PER_H,), jnp.int32),
        pltpu.VMEM((NCHUNK_H, CHUNK), jnp.int32),
        pltpu.VMEM((CHUNK, D), jnp.float32),
        pltpu.VMEM((CHUNK, D), jnp.float32),
        pltpu.VMEM((CHUNK,), jnp.float32),
        pltpu.SemaphoreType.DMA,
        pltpu.SemaphoreType.DMA,
    ),
)


def _tc_body(agg_ref, deg_ref, w_ref, b_ref, out_ref):
    a = agg_ref[0] + agg_ref[1]
    dg = deg_ref[0] + deg_ref[1]
    dg = jnp.maximum(dg, 1.0)
    a = a / dg
    out_ref[...] = (
        jnp.dot(a, w_ref[...], preferred_element_type=jnp.float32) + b_ref[...]
    )


def _tc_finish(agg, deg, W, b2):
    return pl.pallas_call(
        _tc_body,
        grid=(N_PAD // TC_BLK,),
        in_specs=[
            pl.BlockSpec((NC, TC_BLK, D), lambda i: (0, i, 0)),
            pl.BlockSpec((NC, TC_BLK, 1), lambda i: (0, i, 0)),
            pl.BlockSpec((D, D), lambda i: (0, 0)),
            pl.BlockSpec((1, D), lambda i: (0, 0)),
        ],
        out_specs=pl.BlockSpec((TC_BLK, D), lambda i: (i, 0)),
        out_shape=jax.ShapeDtypeStruct((N_PAD, D), jnp.float32),
    )(agg, deg, W, b2)


def kernel(x, edge_index, W, b):
    z128 = jnp.zeros((CHUNK, D), jnp.float32)
    zo1 = jnp.concatenate(
        [jnp.zeros((ROWS_PER_TILE,), jnp.float32),
         jnp.ones((CHUNK,), jnp.float32)], axis=0)
    npad = E_TOTAL - N_EDGES
    pad_i = jnp.arange(npad, dtype=jnp.int32)
    src = jnp.concatenate([edge_index[0], pad_i % N_NODES])
    dst = jnp.concatenate([edge_index[1], N_NODES + pad_i % (N_PAD - N_NODES)])
    agg, deg = _sc_aggregate(x, src.reshape(NW * NHALF, E_PER_H),
                             dst.reshape(NW * NHALF, NCHUNK_H, CHUNK),
                             z128, zo1)
    agg = agg.reshape(NC, N_PAD, D)
    deg = deg.reshape(NC, N_PAD, 1)
    out = _tc_finish(agg, deg, W, b.reshape(1, D))
    return out[:N_NODES]

# --- scband reference (transcript-rebuilt; emitter-appended) ---
"""Pipeline reference for scband-cncondition-encoder-22608707846760 (READ-ONLY COPY).

The authoritative reference and input builder live on the scoring server;
editing this copy changes nothing except your own understanding.
"""

import jax, jax.numpy as jnp
import numpy as np

N_NODES = 10000
N_EDGES = 320000
D_FEAT = 128


def setup_inputs(seed: int = 0) -> dict:
    key = jax.random.key(seed)
    k1, k2, k3, k4 = jax.random.split(key, 4)
    x = jax.random.normal(k1, (N_NODES, D_FEAT), dtype=jnp.float32)
    edge_index = jax.random.randint(k2, (2, N_EDGES), 0, N_NODES, dtype=jnp.int32)
    # Learned parameters of the inner GNN conv layer (in_channels = out_channels = 128)
    W = jax.random.normal(k3, (D_FEAT, D_FEAT), dtype=jnp.float32) * (1.0 / np.sqrt(D_FEAT))
    b = jnp.zeros((D_FEAT,), dtype=jnp.float32)
    return {"x": x, "edge_index": edge_index, "W": W, "b": b}


def reference(x, edge_index, W, b):
    # CNConditionEncoder.forward: node_feat = self.gnn(shared_gnn)
    # Inner gnn: mean-aggregation message-passing conv (gather -> scatter-add -> normalize -> linear)
    src = edge_index[0]
    dst = edge_index[1]
    messages = jnp.take(x, src, axis=0)                       # gather [E, d]
    agg = jnp.zeros_like(x).at[dst].add(messages)             # scatter-add [N, d]
    deg = jnp.zeros((x.shape[0],), dtype=x.dtype).at[dst].add(1.0)
    deg = jnp.maximum(deg, 1.0)
    agg = agg / deg[:, None]                                  # mean aggregation
    node_feat = agg @ W + b                                   # linear transform
    return node_feat

if __name__ == "__main__":
    import jax
    _d = setup_inputs()
    print(jax.jit(kernel)(*tuple(_d.values())))

</pallas_src>

<mosaic_0001>
#map = affine_map<(d0, d1) -> (0, 0)>
#map1 = affine_map<(d0, d1) -> (0, 0, 0)>
#map2 = affine_map<(d0, d1) -> (0)>
module attributes {stable_mosaic.version = 14 : i64} {
  func.func @_sc_body(%arg0: i32, %arg1: i32, %arg2: memref<10000x128xf32, #tpu.memory_space<hbm>>, %arg3: memref<64x5120xi32, #tpu.memory_space<hbm>>, %arg4: memref<64x40x128xi32, #tpu.memory_space<hbm>>, %arg5: memref<128x128xf32, #tpu.memory_space<hbm>>, %arg6: memref<768xf32, #tpu.memory_space<hbm>>, %arg7: memref<20480x128xf32, #tpu.memory_space<hbm>>, %arg8: memref<20480xf32, #tpu.memory_space<hbm>>, %arg9: memref<10240x128xf32, #tpu.memory_space<vmem_shared>>, %arg10: memref<10240xf32, #tpu.memory_space<vmem_shared>>, %arg11: memref<5120xi32, #tpu.memory_space<vmem>>, %arg12: memref<40x128xi32, #tpu.memory_space<vmem>>, %arg13: memref<128x128xf32, #tpu.memory_space<vmem>>, %arg14: memref<128x128xf32, #tpu.memory_space<vmem>>, %arg15: memref<128xf32, #tpu.memory_space<vmem>>, %arg16: memref<!tpu.dma_semaphore, #tpu.memory_space<semaphore_mem>>, %arg17: memref<!tpu.dma_semaphore, #tpu.memory_space<semaphore_mem>>) attributes {dimension_semantics = [#tpu.dimension_semantics<core_parallel>, #tpu.dimension_semantics<subcore_parallel>], iteration_bounds = array<i64: 2, 16>, scalar_prefetch = 0 : i64, scratch_operands = 9 : i64, tpu.core_type = #tpu.core_type<sc_vector_subcore>, window_params = [{transform_indices = #map}, {transform_indices = #map}, {transform_indices = #map1}, {transform_indices = #map}, {transform_indices = #map2}, {transform_indices = #map}, {transform_indices = #map2}]} {
    %mul3A = arith.constant 2 : i32
    %mul3A_0 = arith.muli %arg1, %mul3A : i32
    %add3A = arith.addi %mul3A_0, %arg0 : i32
    %mul3A_1 = arith.constant 640 : i32
    %mul3A_2 = arith.muli %arg1, %mul3A_1 : i32
    "tpu.region"() ({
      %run_scoped3A_91 = tpu.sem_alloc : memref<!tpu.dma_semaphore, #tpu.memory_space<semaphore_mem>>
      tpu.enqueue_dma source(%arg5 : memref<128x128xf32, #tpu.memory_space<hbm>>) target(%arg13 : memref<128x128xf32, #tpu.memory_space<vmem>>) target_semaphore(%run_scoped3A_91 : memref<!tpu.dma_semaphore, #tpu.memory_space<semaphore_mem>>)
      tpu.wait_dma2 semaphore(%run_scoped3A_91 : memref<!tpu.dma_semaphore, #tpu.memory_space<semaphore_mem>>) src(%arg5 : memref<128x128xf32, #tpu.memory_space<hbm>>) dst(%arg13 : memref<128x128xf32, #tpu.memory_space<vmem>>)
      tpu.yield
    }) : () -> ()
    %add3A_3 = arith.constant 0 : i32
    %add3A_4 = arith.addi %mul3A_2, %add3A_3 : i32
    "tpu.region"() ({
      %run_scoped3A_91 = tpu.sem_alloc : memref<!tpu.dma_semaphore, #tpu.memory_space<semaphore_mem>>
      %dma_start3A_92 = arith.constant 0 : i32
      %dma_start3A_93 = arith.constant 0 : i32
      %dma_start3A_94 = tpu.memref_slice %arg13[%dma_start3A_92, %dma_start3A_93] : memref<128x128xf32, #tpu.memory_space<vmem>> -> memref<80x128xf32, #tpu.memory_space<vmem>>
      %dma_start3A_95 = arith.constant 0 : i32
      %dma_start3A_96 = tpu.memref_slice %arg9[%add3A_4, %dma_start3A_95] : memref<10240x128xf32, #tpu.memory_space<vmem_shared>> -> memref<80x128xf32, #tpu.memory_space<vmem_shared>>
      %dma_start3A_97 = arith.constant 0 : i32
      %dma_start3A_98 = tpu.memref_slice %arg9[%add3A_4, %dma_start3A_97] : memref<10240x128xf32, #tpu.memory_space<vmem_shared>> -> memref<80x128xf32, #tpu.memory_space<vmem_shared>>
      %dma_start3A_99 = arith.constant 0 : i32
      %dma_start3A_100 = arith.constant 0 : i32
      %dma_start3A_101 = tpu.memref_slice %arg13[%dma_start3A_99, %dma_start3A_100] : memref<128x128xf32, #tpu.memory_space<vmem>> -> memref<80x128xf32, #tpu.memory_space<vmem>>
      tpu.enqueue_dma source(%dma_start3A_101 : memref<80x128xf32, #tpu.memory_space<vmem>>) target(%dma_start3A_98 : memref<80x128xf32, #tpu.memory_space<vmem_shared>>) target_semaphore(%run_scoped3A_91 : memref<!tpu.dma_semaphore, #tpu.memory_space<semaphore_mem>>)
      %dma_wait3A_102 = arith.constant 0 : i32
      %dma_wait3A_103 = arith.constant 0 : i32
      %dma_wait3A_104 = tpu.memref_slice %arg13[%dma_wait3A_102, %dma_wait3A_103] : memref<128x128xf32, #tpu.memory_space<vmem>> -> memref<80x128xf32, #tpu.memory_space<vmem>>
      %dma_wait3A_105 = arith.constant 0 : i32
      %dma_wait3A_106 = tpu.memref_slice %arg9[%add3A_4, %dma_wait3A_105] : memref<10240x128xf32, #tpu.memory_space<vmem_shared>> -> memref<80x128xf32, #tpu.memory_space<vmem_shared>>
      %dma_wait3A_107 = arith.constant 0 : i32
      %dma_wait3A_108 = tpu.memref_slice %arg9[%add3A_4, %dma_wait3A_107] : memref<10240x128xf32, #tpu.memory_space<vmem_shared>> -> memref<80x128xf32, #tpu.memory_space<vmem_shared>>
      %dma_wait3A_109 = arith.constant 0 : i32
      %dma_wait3A_110 = arith.constant 0 : i32
      %dma_wait3A_111 = tpu.memref_slice %arg13[%dma_wait3A_109, %dma_wait3A_110] : memref<128x128xf32, #tpu.memory_space<vmem>> -> memref<80x128xf32, #tpu.memory_space<vmem>>
      tpu.wait_dma2 semaphore(%run_scoped3A_91 : memref<!tpu.dma_semaphore, #tpu.memory_space<semaphore_mem>>) src(%dma_wait3A_111 : memref<80x128xf32, #tpu.memory_space<vmem>>) dst(%dma_wait3A_108 : memref<80x128xf32, #tpu.memory_space<vmem_shared>>)
      tpu.yield
    }) : () -> ()
    %add3A_5 = arith.constant 80 : i32
    %add3A_6 = arith.addi %mul3A_2, %add3A_5 : i32
    "tpu.region"() ({
      %run_scoped3A_91 = tpu.sem_alloc : memref<!tpu.dma_semaphore, #tpu.memory_space<semaphore_mem>>
      %dma_start3A_92 = arith.constant 0 : i32
      %dma_start3A_93 = arith.constant 0 : i32
      %dma_start3A_94 = tpu.memref_slice %arg13[%dma_start3A_92, %dma_start3A_93] : memref<128x128xf32, #tpu.memory_space<vmem>> -> memref<80x128xf32, #tpu.memory_space<vmem>>
      %dma_start3A_95 = arith.constant 0 : i32
      %dma_start3A_96 = tpu.memref_slice %arg9[%add3A_6, %dma_start3A_95] : memref<10240x128xf32, #tpu.memory_space<vmem_shared>> -> memref<80x128xf32, #tpu.memory_space<vmem_shared>>
      %dma_start3A_97 = arith.constant 0 : i32
      %dma_start3A_98 = tpu.memref_slice %arg9[%add3A_6, %dma_start3A_97] : memref<10240x128xf32, #tpu.memory_space<vmem_shared>> -> memref<80x128xf32, #tpu.memory_space<vmem_shared>>
      %dma_start3A_99 = arith.constant 0 : i32
      %dma_start3A_100 = arith.constant 0 : i32
      %dma_start3A_101 = tpu.memref_slice %arg13[%dma_start3A_99, %dma_start3A_100] : memref<128x128xf32, #tpu.memory_space<vmem>> -> memref<80x128xf32, #tpu.memory_space<vmem>>
      tpu.enqueue_dma source(%dma_start3A_101 : memref<80x128xf32, #tpu.memory_space<vmem>>) target(%dma_start3A_98 : memref<80x128xf32, #tpu.memory_space<vmem_shared>>) target_semaphore(%run_scoped3A_91 : memref<!tpu.dma_semaphore, #tpu.memory_space<semaphore_mem>>)
      %dma_wait3A_102 = arith.constant 0 : i32
      %dma_wait3A_103 = arith.constant 0 : i32
      %dma_wait3A_104 = tpu.memref_slice %arg13[%dma_wait3A_102, %dma_wait3A_103] : memref<128x128xf32, #tpu.memory_space<vmem>> -> memref<80x128xf32, #tpu.memory_space<vmem>>
      %dma_wait3A_105 = arith.constant 0 : i32
      %dma_wait3A_106 = tpu.memref_slice %arg9[%add3A_6, %dma_wait3A_105] : memref<10240x128xf32, #tpu.memory_space<vmem_shared>> -> memref<80x128xf32, #tpu.memory_space<vmem_shared>>
      %dma_wait3A_107 = arith.constant 0 : i32
      %dma_wait3A_108 = tpu.memref_slice %arg9[%add3A_6, %dma_wait3A_107] : memref<10240x128xf32, #tpu.memory_space<vmem_shared>> -> memref<80x128xf32, #tpu.memory_space<vmem_shared>>
      %dma_wait3A_109 = arith.constant 0 : i32
      %dma_wait3A_110 = arith.constant 0 : i32
      %dma_wait3A_111 = tpu.memref_slice %arg13[%dma_wait3A_109, %dma_wait3A_110] : memref<128x128xf32, #tpu.memory_space<vmem>> -> memref<80x128xf32, #tpu.memory_space<vmem>>
      tpu.wait_dma2 semaphore(%run_scoped3A_91 : memref<!tpu.dma_semaphore, #tpu.memory_space<semaphore_mem>>) src(%dma_wait3A_111 : memref<80x128xf32, #tpu.memory_space<vmem>>) dst(%dma_wait3A_108 : memref<80x128xf32, #tpu.memory_space<vmem_shared>>)
      tpu.yield
    }) : () -> ()
    %add3A_7 = arith.constant 160 : i32
    %add3A_8 = arith.addi %mul3A_2, %add3A_7 : i32
    "tpu.region"() ({
      %run_scoped3A_91 = tpu.sem_alloc : memref<!tpu.dma_semaphore, #tpu.memory_space<semaphore_mem>>
      %dma_start3A_92 = arith.constant 0 : i32
      %dma_start3A_93 = arith.constant 0 : i32
      %dma_start3A_94 = tpu.memref_slice %arg13[%dma_start3A_92, %dma_start3A_93] : memref<128x128xf32, #tpu.memory_space<vmem>> -> memref<80x128xf32, #tpu.memory_space<vmem>>
      %dma_start3A_95 = arith.constant 0 : i32
      %dma_start3A_96 = tpu.memref_slice %arg9[%add3A_8, %dma_start3A_95] : memref<10240x128xf32, #tpu.memory_space<vmem_shared>> -> memref<80x128xf32, #tpu.memory_space<vmem_shared>>
      %dma_start3A_97 = arith.constant 0 : i32
      %dma_start3A_98 = tpu.memref_slice %arg9[%add3A_8, %dma_start3A_97] : memref<10240x128xf32, #tpu.memory_space<vmem_shared>> -> memref<80x128xf32, #tpu.memory_space<vmem_shared>>
      %dma_start3A_99 = arith.constant 0 : i32
      %dma_start3A_100 = arith.constant 0 : i32
      %dma_start3A_101 = tpu.memref_slice %arg13[%dma_start3A_99, %dma_start3A_100] : memref<128x128xf32, #tpu.memory_space<vmem>> -> memref<80x128xf32, #tpu.memory_space<vmem>>
      tpu.enqueue_dma source(%dma_start3A_101 : memref<80x128xf32, #tpu.memory_space<vmem>>) target(%dma_start3A_98 : memref<80x128xf32, #tpu.memory_space<vmem_shared>>) target_semaphore(%run_scoped3A_91 : memref<!tpu.dma_semaphore, #tpu.memory_space<semaphore_mem>>)
      %dma_wait3A_102 = arith.constant 0 : i32
      %dma_wait3A_103 = arith.constant 0 : i32
      %dma_wait3A_104 = tpu.memref_slice %arg13[%dma_wait3A_102, %dma_wait3A_103] : memref<128x128xf32, #tpu.memory_space<vmem>> -> memref<80x128xf32, #tpu.memory_space<vmem>>
      %dma_wait3A_105 = arith.constant 0 : i32
      %dma_wait3A_106 = tpu.memref_slice %arg9[%add3A_8, %dma_wait3A_105] : memref<10240x128xf32, #tpu.memory_space<vmem_shared>> -> memref<80x128xf32, #tpu.memory_space<vmem_shared>>
      %dma_wait3A_107 = arith.constant 0 : i32
      %dma_wait3A_108 = tpu.memref_slice %arg9[%add3A_8, %dma_wait3A_107] : memref<10240x128xf32, #tpu.memory_space<vmem_shared>> -> memref<80x128xf32, #tpu.memory_space<vmem_shared>>
      %dma_wait3A_109 = arith.constant 0 : i32
      %dma_wait3A_110 = arith.constant 0 : i32
      %dma_wait3A_111 = tpu.memref_slice %arg13[%dma_wait3A_109, %dma_wait3A_110] : memref<128x128xf32, #tpu.memory_space<vmem>> -> memref<80x128xf32, #tpu.memory_space<vmem>>
      tpu.wait_dma2 semaphore(%run_scoped3A_91 : memref<!tpu.dma_semaphore, #tpu.memory_space<semaphore_mem>>) src(%dma_wait3A_111 : memref<80x128xf32, #tpu.memory_space<vmem>>) dst(%dma_wait3A_108 : memref<80x128xf32, #tpu.memory_space<vmem_shared>>)
      tpu.yield
    }) : () -> ()
    %add3A_9 = arith.constant 240 : i32
    %add3A_10 = arith.addi %mul3A_2, %add3A_9 : i32
    "tpu.region"() ({
      %run_scoped3A_91 = tpu.sem_alloc : memref<!tpu.dma_semaphore, #tpu.memory_space<semaphore_mem>>
      %dma_start3A_92 = arith.constant 0 : i32
      %dma_start3A_93 = arith.constant 0 : i32
      %dma_start3A_94 = tpu.memref_slice %arg13[%dma_start3A_92, %dma_start3A_93] : memref<128x128xf32, #tpu.memory_space<vmem>> -> memref<80x128xf32, #tpu.memory_space<vmem>>
      %dma_start3A_95 = arith.constant 0 : i32
      %dma_start3A_96 = tpu.memref_slice %arg9[%add3A_10, %dma_start3A_95] : memref<10240x128xf32, #tpu.memory_space<vmem_shared>> -> memref<80x128xf32, #tpu.memory_space<vmem_shared>>
      %dma_start3A_97 = arith.constant 0 : i32
      %dma_start3A_98 = tpu.memref_slice %arg9[%add3A_10, %dma_start3A_97] : memref<10240x128xf32, #tpu.memory_space<vmem_shared>> -> memref<80x128xf32, #tpu.memory_space<vmem_shared>>
      %dma_start3A_99 = arith.constant 0 : i32
      %dma_start3A_100 = arith.constant 0 : i32
      %dma_start3A_101 = tpu.memref_slice %arg13[%dma_start3A_99, %dma_start3A_100] : memref<128x128xf32, #tpu.memory_space<vmem>> -> memref<80x128xf32, #tpu.memory_space<vmem>>
      tpu.enqueue_dma source(%dma_start3A_101 : memref<80x128xf32, #tpu.memory_space<vmem>>) target(%dma_start3A_98 : memref<80x128xf32, #tpu.memory_space<vmem_shared>>) target_semaphore(%run_scoped3A_91 : memref<!tpu.dma_semaphore, #tpu.memory_space<semaphore_mem>>)
      %dma_wait3A_102 = arith.constant 0 : i32
      %dma_wait3A_103 = arith.constant 0 : i32
      %dma_wait3A_104 = tpu.memref_slice %arg13[%dma_wait3A_102, %dma_wait3A_103] : memref<128x128xf32, #tpu.memory_space<vmem>> -> memref<80x128xf32, #tpu.memory_space<vmem>>
      %dma_wait3A_105 = arith.constant 0 : i32
      %dma_wait3A_106 = tpu.memref_slice %arg9[%add3A_10, %dma_wait3A_105] : memref<10240x128xf32, #tpu.memory_space<vmem_shared>> -> memref<80x128xf32, #tpu.memory_space<vmem_shared>>
      %dma_wait3A_107 = arith.constant 0 : i32
      %dma_wait3A_108 = tpu.memref_slice %arg9[%add3A_10, %dma_wait3A_107] : memref<10240x128xf32, #tpu.memory_space<vmem_shared>> -> memref<80x128xf32, #tpu.memory_space<vmem_shared>>
      %dma_wait3A_109 = arith.constant 0 : i32
      %dma_wait3A_110 = arith.constant 0 : i32
      %dma_wait3A_111 = tpu.memref_slice %arg13[%dma_wait3A_109, %dma_wait3A_110] : memref<128x128xf32, #tpu.memory_space<vmem>> -> memref<80x128xf32, #tpu.memory_space<vmem>>
      tpu.wait_dma2 semaphore(%run_scoped3A_91 : memref<!tpu.dma_semaphore, #tpu.memory_space<semaphore_mem>>) src(%dma_wait3A_111 : memref<80x128xf32, #tpu.memory_space<vmem>>) dst(%dma_wait3A_108 : memref<80x128xf32, #tpu.memory_space<vmem_shared>>)
      tpu.yield
    }) : () -> ()
    %add3A_11 = arith.constant 320 : i32
    %add3A_12 = arith.addi %mul3A_2, %add3A_11 : i32
    "tpu.region"() ({
      %run_scoped3A_91 = tpu.sem_alloc : memref<!tpu.dma_semaphore, #tpu.memory_space<semaphore_mem>>
      %dma_start3A_92 = arith.constant 0 : i32
      %dma_start3A_93 = arith.constant 0 : i32
      %dma_start3A_94 = tpu.memref_slice %arg13[%dma_start3A_92, %dma_start3A_93] : memref<128x128xf32, #tpu.memory_space<vmem>> -> memref<80x128xf32, #tpu.memory_space<vmem>>
      %dma_start3A_95 = arith.constant 0 : i32
      %dma_start3A_96 = tpu.memref_slice %arg9[%add3A_12, %dma_start3A_95] : memref<10240x128xf32, #tpu.memory_space<vmem_shared>> -> memref<80x128xf32, #tpu.memory_space<vmem_shared>>
      %dma_start3A_97 = arith.constant 0 : i32
      %dma_start3A_98 = tpu.memref_slice %arg9[%add3A_12, %dma_start3A_97] : memref<10240x128xf32, #tpu.memory_space<vmem_shared>> -> memref<80x128xf32, #tpu.memory_space<vmem_shared>>
      %dma_start3A_99 = arith.constant 0 : i32
      %dma_start3A_100 = arith.constant 0 : i32
      %dma_start3A_101 = tpu.memref_slice %arg13[%dma_start3A_99, %dma_start3A_100] : memref<128x128xf32, #tpu.memory_space<vmem>> -> memref<80x128xf32, #tpu.memory_space<vmem>>
      tpu.enqueue_dma source(%dma_start3A_101 : memref<80x128xf32, #tpu.memory_space<vmem>>) target(%dma_start3A_98 : memref<80x128xf32, #tpu.memory_space<vmem_shared>>) target_semaphore(%run_scoped3A_91 : memref<!tpu.dma_semaphore, #tpu.memory_space<semaphore_mem>>)
      %dma_wait3A_102 = arith.constant 0 : i32
      %dma_wait3A_103 = arith.constant 0 : i32
      %dma_wait3A_104 = tpu.memref_slice %arg13[%dma_wait3A_102, %dma_wait3A_103] : memref<128x128xf32, #tpu.memory_space<vmem>> -> memref<80x128xf32, #tpu.memory_space<vmem>>
      %dma_wait3A_105 = arith.constant 0 : i32
      %dma_wait3A_106 = tpu.memref_slice %arg9[%add3A_12, %dma_wait3A_105] : memref<10240x128xf32, #tpu.memory_space<vmem_shared>> -> memref<80x128xf32, #tpu.memory_space<vmem_shared>>
      %dma_wait3A_107 = arith.constant 0 : i32
      %dma_wait3A_108 = tpu.memref_slice %arg9[%add3A_12, %dma_wait3A_107] : memref<10240x128xf32, #tpu.memory_space<vmem_shared>> -> memref<80x128xf32, #tpu.memory_space<vmem_shared>>
      %dma_wait3A_109 = arith.constant 0 : i32
      %dma_wait3A_110 = arith.constant 0 : i32
      %dma_wait3A_111 = tpu.memref_slice %arg13[%dma_wait3A_109, %dma_wait3A_110] : memref<128x128xf32, #tpu.memory_space<vmem>> -> memref<80x128xf32, #tpu.memory_space<vmem>>
      tpu.wait_dma2 semaphore(%run_scoped3A_91 : memref<!tpu.dma_semaphore, #tpu.memory_space<semaphore_mem>>) src(%dma_wait3A_111 : memref<80x128xf32, #tpu.memory_space<vmem>>) dst(%dma_wait3A_108 : memref<80x128xf32, #tpu.memory_space<vmem_shared>>)
      tpu.yield
    }) : () -> ()
    %add3A_13 = arith.constant 400 : i32
    %add3A_14 = arith.addi %mul3A_2, %add3A_13 : i32
    "tpu.region"() ({
      %run_scoped3A_91 = tpu.sem_alloc : memref<!tpu.dma_semaphore, #tpu.memory_space<semaphore_mem>>
      %dma_start3A_92 = arith.constant 0 : i32
      %dma_start3A_93 = arith.constant 0 : i32
      %dma_start3A_94 = tpu.memref_slice %arg13[%dma_start3A_92, %dma_start3A_93] : memref<128x128xf32, #tpu.memory_space<vmem>> -> memref<80x128xf32, #tpu.memory_space<vmem>>
      %dma_start3A_95 = arith.constant 0 : i32
      %dma_start3A_96 = tpu.memref_slice %arg9[%add3A_14, %dma_start3A_95] : memref<10240x128xf32, #tpu.memory_space<vmem_shared>> -> memref<80x128xf32, #tpu.memory_space<vmem_shared>>
      %dma_start3A_97 = arith.constant 0 : i32
      %dma_start3A_98 = tpu.memref_slice %arg9[%add3A_14, %dma_start3A_97] : memref<10240x128xf32, #tpu.memory_space<vmem_shared>> -> memref<80x128xf32, #tpu.memory_space<vmem_shared>>
      %dma_start3A_99 = arith.constant 0 : i32
      %dma_start3A_100 = arith.constant 0 : i32
      %dma_start3A_101 = tpu.memref_slice %arg13[%dma_start3A_99, %dma_start3A_100] : memref<128x128xf32, #tpu.memory_space<vmem>> -> memref<80x128xf32, #tpu.memory_space<vmem>>
      tpu.enqueue_dma source(%dma_start3A_101 : memref<80x128xf32, #tpu.memory_space<vmem>>) target(%dma_start3A_98 : memref<80x128xf32, #tpu.memory_space<vmem_shared>>) target_semaphore(%run_scoped3A_91 : memref<!tpu.dma_semaphore, #tpu.memory_space<semaphore_mem>>)
      %dma_wait3A_102 = arith.constant 0 : i32
      %dma_wait3A_103 = arith.constant 0 : i32
      %dma_wait3A_104 = tpu.memref_slice %arg13[%dma_wait3A_102, %dma_wait3A_103] : memref<128x128xf32, #tpu.memory_space<vmem>> -> memref<80x128xf32, #tpu.memory_space<vmem>>
      %dma_wait3A_105 = arith.constant 0 : i32
      %dma_wait3A_106 = tpu.memref_slice %arg9[%add3A_14, %dma_wait3A_105] : memref<10240x128xf32, #tpu.memory_space<vmem_shared>> -> memref<80x128xf32, #tpu.memory_space<vmem_shared>>
      %dma_wait3A_107 = arith.constant 0 : i32
      %dma_wait3A_108 = tpu.memref_slice %arg9[%add3A_14, %dma_wait3A_107] : memref<10240x128xf32, #tpu.memory_space<vmem_shared>> -> memref<80x128xf32, #tpu.memory_space<vmem_shared>>
      %dma_wait3A_109 = arith.constant 0 : i32
      %dma_wait3A_110 = arith.constant 0 : i32
      %dma_wait3A_111 = tpu.memref_slice %arg13[%dma_wait3A_109, %dma_wait3A_110] : memref<128x128xf32, #tpu.memory_space<vmem>> -> memref<80x128xf32, #tpu.memory_space<vmem>>
      tpu.wait_dma2 semaphore(%run_scoped3A_91 : memref<!tpu.dma_semaphore, #tpu.memory_space<semaphore_mem>>) src(%dma_wait3A_111 : memref<80x128xf32, #tpu.memory_space<vmem>>) dst(%dma_wait3A_108 : memref<80x128xf32, #tpu.memory_space<vmem_shared>>)
      tpu.yield
    }) : () -> ()
    %add3A_15 = arith.constant 480 : i32
    %add3A_16 = arith.addi %mul3A_2, %add3A_15 : i32
    "tpu.region"() ({
      %run_scoped3A_91 = tpu.sem_alloc : memref<!tpu.dma_semaphore, #tpu.memory_space<semaphore_mem>>
      %dma_start3A_92 = arith.constant 0 : i32
      %dma_start3A_93 = arith.constant 0 : i32
      %dma_start3A_94 = tpu.memref_slice %arg13[%dma_start3A_92, %dma_start3A_93] : memref<128x128xf32, #tpu.memory_space<vmem>> -> memref<80x128xf32, #tpu.memory_space<vmem>>
      %dma_start3A_95 = arith.constant 0 : i32
      %dma_start3A_96 = tpu.memref_slice %arg9[%add3A_16, %dma_start3A_95] : memref<10240x128xf32, #tpu.memory_space<vmem_shared>> -> memref<80x128xf32, #tpu.memory_space<vmem_shared>>
      %dma_start3A_97 = arith.constant 0 : i32
      %dma_start3A_98 = tpu.memref_slice %arg9[%add3A_16, %dma_start3A_97] : memref<10240x128xf32, #tpu.memory_space<vmem_shared>> -> memref<80x128xf32, #tpu.memory_space<vmem_shared>>
      %dma_start3A_99 = arith.constant 0 : i32
      %dma_start3A_100 = arith.constant 0 : i32
      %dma_start3A_101 = tpu.memref_slice %arg13[%dma_start3A_99, %dma_start3A_100] : memref<128x128xf32, #tpu.memory_space<vmem>> -> memref<80x128xf32, #tpu.memory_space<vmem>>
      tpu.enqueue_dma source(%dma_start3A_101 : memref<80x128xf32, #tpu.memory_space<vmem>>) target(%dma_start3A_98 : memref<80x128xf32, #tpu.memory_space<vmem_shared>>) target_semaphore(%run_scoped3A_91 : memref<!tpu.dma_semaphore, #tpu.memory_space<semaphore_mem>>)
      %dma_wait3A_102 = arith.constant 0 : i32
      %dma_wait3A_103 = arith.constant 0 : i32
      %dma_wait3A_104 = tpu.memref_slice %arg13[%dma_wait3A_102, %dma_wait3A_103] : memref<128x128xf32, #tpu.memory_space<vmem>> -> memref<80x128xf32, #tpu.memory_space<vmem>>
      %dma_wait3A_105 = arith.constant 0 : i32
      %dma_wait3A_106 = tpu.memref_slice %arg9[%add3A_16, %dma_wait3A_105] : memref<10240x128xf32, #tpu.memory_space<vmem_shared>> -> memref<80x128xf32, #tpu.memory_space<vmem_shared>>
      %dma_wait3A_107 = arith.constant 0 : i32
      %dma_wait3A_108 = tpu.memref_slice %arg9[%add3A_16, %dma_wait3A_107] : memref<10240x128xf32, #tpu.memory_space<vmem_shared>> -> memref<80x128xf32, #tpu.memory_space<vmem_shared>>
      %dma_wait3A_109 = arith.constant 0 : i32
      %dma_wait3A_110 = arith.constant 0 : i32
      %dma_wait3A_111 = tpu.memref_slice %arg13[%dma_wait3A_109, %dma_wait3A_110] : memref<128x128xf32, #tpu.memory_space<vmem>> -> memref<80x128xf32, #tpu.memory_space<vmem>>
      tpu.wait_dma2 semaphore(%run_scoped3A_91 : memref<!tpu.dma_semaphore, #tpu.memory_space<semaphore_mem>>) src(%dma_wait3A_111 : memref<80x128xf32, #tpu.memory_space<vmem>>) dst(%dma_wait3A_108 : memref<80x128xf32, #tpu.memory_space<vmem_shared>>)
      tpu.yield
    }) : () -> ()
    %add3A_17 = arith.constant 560 : i32
    %add3A_18 = arith.addi %mul3A_2, %add3A_17 : i32
    "tpu.region"() ({
      %run_scoped3A_91 = tpu.sem_alloc : memref<!tpu.dma_semaphore, #tpu.memory_space<semaphore_mem>>
      %dma_start3A_92 = arith.constant 0 : i32
      %dma_start3A_93 = arith.constant 0 : i32
      %dma_start3A_94 = tpu.memref_slice %arg13[%dma_start3A_92, %dma_start3A_93] : memref<128x128xf32, #tpu.memory_space<vmem>> -> memref<80x128xf32, #tpu.memory_space<vmem>>
      %dma_start3A_95 = arith.constant 0 : i32
      %dma_start3A_96 = tpu.memref_slice %arg9[%add3A_18, %dma_start3A_95] : memref<10240x128xf32, #tpu.memory_space<vmem_shared>> -> memref<80x128xf32, #tpu.memory_space<vmem_shared>>
      %dma_start3A_97 = arith.constant 0 : i32
      %dma_start3A_98 = tpu.memref_slice %arg9[%add3A_18, %dma_start3A_97] : memref<10240x128xf32, #tpu.memory_space<vmem_shared>> -> memref<80x128xf32, #tpu.memory_space<vmem_shared>>
      %dma_start3A_99 = arith.constant 0 : i32
      %dma_start3A_100 = arith.constant 0 : i32
      %dma_start3A_101 = tpu.memref_slice %arg13[%dma_start3A_99, %dma_start3A_100] : memref<128x128xf32, #tpu.memory_space<vmem>> -> memref<80x128xf32, #tpu.memory_space<vmem>>
      tpu.enqueue_dma source(%dma_start3A_101 : memref<80x128xf32, #tpu.memory_space<vmem>>) target(%dma_start3A_98 : memref<80x128xf32, #tpu.memory_space<vmem_shared>>) target_semaphore(%run_scoped3A_91 : memref<!tpu.dma_semaphore, #tpu.memory_space<semaphore_mem>>)
      %dma_wait3A_102 = arith.constant 0 : i32
      %dma_wait3A_103 = arith.constant 0 : i32
      %dma_wait3A_104 = tpu.memref_slice %arg13[%dma_wait3A_102, %dma_wait3A_103] : memref<128x128xf32, #tpu.memory_space<vmem>> -> memref<80x128xf32, #tpu.memory_space<vmem>>
      %dma_wait3A_105 = arith.constant 0 : i32
      %dma_wait3A_106 = tpu.memref_slice %arg9[%add3A_18, %dma_wait3A_105] : memref<10240x128xf32, #tpu.memory_space<vmem_shared>> -> memref<80x128xf32, #tpu.memory_space<vmem_shared>>
      %dma_wait3A_107 = arith.constant 0 : i32
      %dma_wait3A_108 = tpu.memref_slice %arg9[%add3A_18, %dma_wait3A_107] : memref<10240x128xf32, #tpu.memory_space<vmem_shared>> -> memref<80x128xf32, #tpu.memory_space<vmem_shared>>
      %dma_wait3A_109 = arith.constant 0 : i32
      %dma_wait3A_110 = arith.constant 0 : i32
      %dma_wait3A_111 = tpu.memref_slice %arg13[%dma_wait3A_109, %dma_wait3A_110] : memref<128x128xf32, #tpu.memory_space<vmem>> -> memref<80x128xf32, #tpu.memory_space<vmem>>
      tpu.wait_dma2 semaphore(%run_scoped3A_91 : memref<!tpu.dma_semaphore, #tpu.memory_space<semaphore_mem>>) src(%dma_wait3A_111 : memref<80x128xf32, #tpu.memory_space<vmem>>) dst(%dma_wait3A_108 : memref<80x128xf32, #tpu.memory_space<vmem_shared>>)
      tpu.yield
    }) : () -> ()
    "tpu.region"() ({
      %run_scoped3A_91 = tpu.sem_alloc : memref<!tpu.dma_semaphore, #tpu.memory_space<semaphore_mem>>
      %dma_start3A_92 = tpu.memref_slice %arg10[%mul3A_2] : memref<10240xf32, #tpu.memory_space<vmem_shared>> -> memref<640xf32, #tpu.memory_space<vmem_shared>>
      %dma_start3A_93 = arith.constant 0 : i32
      %dma_start3A_94 = tpu.memref_slice %arg6[%dma_start3A_93] : memref<768xf32, #tpu.memory_space<hbm>> -> memref<640xf32, #tpu.memory_space<hbm>>
      tpu.enqueue_dma source(%dma_start3A_94 : memref<640xf32, #tpu.memory_space<hbm>>) target(%dma_start3A_92 : memref<640xf32, #tpu.memory_space<vmem_shared>>) target_semaphore(%run_scoped3A_91 : memref<!tpu.dma_semaphore, #tpu.memory_space<semaphore_mem>>)
      %dma_wait3A_95 = tpu.memref_slice %arg10[%mul3A_2] : memref<10240xf32, #tpu.memory_space<vmem_shared>> -> memref<640xf32, #tpu.memory_space<vmem_shared>>
      %dma_wait3A_96 = arith.constant 0 : i32
      %dma_wait3A_97 = tpu.memref_slice %arg6[%dma_wait3A_96] : memref<768xf32, #tpu.memory_space<hbm>> -> memref<640xf32, #tpu.memory_space<hbm>>
      tpu.wait_dma2 semaphore(%run_scoped3A_91 : memref<!tpu.dma_semaphore, #tpu.memory_space<semaphore_mem>>) src(%dma_wait3A_97 : memref<640xf32, #tpu.memory_space<hbm>>) dst(%dma_wait3A_95 : memref<640xf32, #tpu.memory_space<vmem_shared>>)
      tpu.yield
    }) : () -> ()
    "tpu.region"() ({
      %run_scoped3A_91 = tpu.sem_alloc : memref<!tpu.dma_semaphore, #tpu.memory_space<semaphore_mem>>
      %dma_start3A_92 = arith.constant 640 : i32
      %dma_start3A_93 = tpu.memref_slice %arg6[%dma_start3A_92] : memref<768xf32, #tpu.memory_space<hbm>> -> memref<128xf32, #tpu.memory_space<hbm>>
      %dma_start3A_94 = arith.constant 640 : i32
      %dma_start3A_95 = tpu.memref_slice %arg6[%dma_start3A_94] : memref<768xf32, #tpu.memory_space<hbm>> -> memref<128xf32, #tpu.memory_space<hbm>>
      tpu.enqueue_dma source(%dma_start3A_95 : memref<128xf32, #tpu.memory_space<hbm>>) target(%arg15 : memref<128xf32, #tpu.memory_space<vmem>>) target_semaphore(%run_scoped3A_91 : memref<!tpu.dma_semaphore, #tpu.memory_space<semaphore_mem>>)
      %dma_wait3A_96 = arith.constant 640 : i32
      %dma_wait3A_97 = tpu.memref_slice %arg6[%dma_wait3A_96] : memref<768xf32, #tpu.memory_space<hbm>> -> memref<128xf32, #tpu.memory_space<hbm>>
      %dma_wait3A_98 = arith.constant 640 : i32
      %dma_wait3A_99 = tpu.memref_slice %arg6[%dma_wait3A_98] : memref<768xf32, #tpu.memory_space<hbm>> -> memref<128xf32, #tpu.memory_space<hbm>>
      tpu.wait_dma2 semaphore(%run_scoped3A_91 : memref<!tpu.dma_semaphore, #tpu.memory_space<semaphore_mem>>) src(%dma_wait3A_99 : memref<128xf32, #tpu.memory_space<hbm>>) dst(%arg15 : memref<128xf32, #tpu.memory_space<vmem>>)
      tpu.yield
    }) : () -> ()
    %barrier3A = arith.constant 0 : index
    tpu.barrier barrier_id(%barrier3A)
    %mul3A_19 = arith.constant 2 : i32
    %mul3A_20 = arith.muli %add3A, %mul3A_19 : i32
    %add3A_21 = arith.constant 0 : i32
    %add3A_22 = arith.addi %mul3A_20, %add3A_21 : i32
    "tpu.region"() ({
      %run_scoped3A_91 = tpu.sem_alloc : memref<!tpu.dma_semaphore, #tpu.memory_space<semaphore_mem>>
      %dma_start3A_92 = arith.constant 0 : i32
      %dma_start3A_93 = tpu.memref_slice %arg3[%add3A_22, %dma_start3A_92] : memref<64x5120xi32, #tpu.memory_space<hbm>> -> memref<1x5120xi32, #tpu.memory_space<hbm>>
      %dma_start3A_94 = tpu.memref_squeeze %dma_start3A_93 : memref<1x5120xi32, #tpu.memory_space<hbm>> -> memref<5120xi32, #tpu.memory_space<hbm>>
      %dma_start3A_95 = arith.constant 0 : i32
      %dma_start3A_96 = tpu.memref_slice %arg3[%add3A_22, %dma_start3A_95] : memref<64x5120xi32, #tpu.memory_space<hbm>> -> memref<1x5120xi32, #tpu.memory_space<hbm>>
      %dma_start3A_97 = tpu.memref_squeeze %dma_start3A_96 : memref<1x5120xi32, #tpu.memory_space<hbm>> -> memref<5120xi32, #tpu.memory_space<hbm>>
      tpu.enqueue_dma source(%dma_start3A_97 : memref<5120xi32, #tpu.memory_space<hbm>>) target(%arg11 : memref<5120xi32, #tpu.memory_space<vmem>>) target_semaphore(%run_scoped3A_91 : memref<!tpu.dma_semaphore, #tpu.memory_space<semaphore_mem>>)
      %dma_wait3A_98 = arith.constant 0 : i32
      %dma_wait3A_99 = tpu.memref_slice %arg3[%add3A_22, %dma_wait3A_98] : memref<64x5120xi32, #tpu.memory_space<hbm>> -> memref<1x5120xi32, #tpu.memory_space<hbm>>
      %dma_wait3A_100 = tpu.memref_squeeze %dma_wait3A_99 : memref<1x5120xi32, #tpu.memory_space<hbm>> -> memref<5120xi32, #tpu.memory_space<hbm>>
      %dma_wait3A_101 = arith.constant 0 : i32
      %dma_wait3A_102 = tpu.memref_slice %arg3[%add3A_22, %dma_wait3A_101] : memref<64x5120xi32, #tpu.memory_space<hbm>> -> memref<1x5120xi32, #tpu.memory_space<hbm>>
      %dma_wait3A_103 = tpu.memref_squeeze %dma_wait3A_102 : memref<1x5120xi32, #tpu.memory_space<hbm>> -> memref<5120xi32, #tpu.memory_space<hbm>>
      tpu.wait_dma2 semaphore(%run_scoped3A_91 : memref<!tpu.dma_semaphore, #tpu.memory_space<semaphore_mem>>) src(%dma_wait3A_103 : memref<5120xi32, #tpu.memory_space<hbm>>) dst(%arg11 : memref<5120xi32, #tpu.memory_space<vmem>>)
      tpu.yield
    }) : () -> ()
    "tpu.region"() ({
      %run_scoped3A_91 = tpu.sem_alloc : memref<!tpu.dma_semaphore, #tpu.memory_space<semaphore_mem>>
      %dma_start3A_92 = arith.constant 0 : i32
      %dma_start3A_93 = arith.constant 0 : i32
      %dma_start3A_94 = tpu.memref_slice %arg4[%add3A_22, %dma_start3A_92, %dma_start3A_93] : memref<64x40x128xi32, #tpu.memory_space<hbm>> -> memref<1x40x128xi32, #tpu.memory_space<hbm>>
      %dma_start3A_95 = tpu.memref_squeeze %dma_start3A_94 : memref<1x40x128xi32, #tpu.memory_space<hbm>> -> memref<40x128xi32, #tpu.memory_space<hbm>>
      %dma_start3A_96 = arith.constant 0 : i32
      %dma_start3A_97 = arith.constant 0 : i32
      %dma_start3A_98 = tpu.memref_slice %arg4[%add3A_22, %dma_start3A_96, %dma_start3A_97] : memref<64x40x128xi32, #tpu.memory_space<hbm>> -> memref<1x40x128xi32, #tpu.memory_space<hbm>>
      %dma_start3A_99 = tpu.memref_squeeze %dma_start3A_98 : memref<1x40x128xi32, #tpu.memory_space<hbm>> -> memref<40x128xi32, #tpu.memory_space<hbm>>
      tpu.enqueue_dma source(%dma_start3A_99 : memref<40x128xi32, #tpu.memory_space<hbm>>) target(%arg12 : memref<40x128xi32, #tpu.memory_space<vmem>>) target_semaphore(%run_scoped3A_91 : memref<!tpu.dma_semaphore, #tpu.memory_space<semaphore_mem>>)
      %dma_wait3A_100 = arith.constant 0 : i32
      %dma_wait3A_101 = arith.constant 0 : i32
      %dma_wait3A_102 = tpu.memref_slice %arg4[%add3A_22, %dma_wait3A_100, %dma_wait3A_101] : memref<64x40x128xi32, #tpu.memory_space<hbm>> -> memref<1x40x128xi32, #tpu.memory_space<hbm>>
      %dma_wait3A_103 = tpu.memref_squeeze %dma_wait3A_102 : memref<1x40x128xi32, #tpu.memory_space<hbm>> -> memref<40x128xi32, #tpu.memory_space<hbm>>
      %dma_wait3A_104 = arith.constant 0 : i32
      %dma_wait3A_105 = arith.constant 0 : i32
      %dma_wait3A_106 = tpu.memref_slice %arg4[%add3A_22, %dma_wait3A_104, %dma_wait3A_105] : memref<64x40x128xi32, #tpu.memory_space<hbm>> -> memref<1x40x128xi32, #tpu.memory_space<hbm>>
      %dma_wait3A_107 = tpu.memref_squeeze %dma_wait3A_106 : memref<1x40x128xi32, #tpu.memory_space<hbm>> -> memref<40x128xi32, #tpu.memory_space<hbm>>
      tpu.wait_dma2 semaphore(%run_scoped3A_91 : memref<!tpu.dma_semaphore, #tpu.memory_space<semaphore_mem>>) src(%dma_wait3A_107 : memref<40x128xi32, #tpu.memory_space<hbm>>) dst(%arg12 : memref<40x128xi32, #tpu.memory_space<vmem>>)
      tpu.yield
    }) : () -> ()
    %dma_start3A = arith.constant 0 : i32
    %dma_start3A_23 = tpu.memref_slice %arg11[%dma_start3A] : memref<5120xi32, #tpu.memory_space<vmem>> -> memref<128xi32, #tpu.memory_space<vmem>>
    %dma_start3A_24 = arith.constant 0 : i32
    %dma_start3A_25 = arith.constant 0 : i32
    %dma_start3A_26 = tpu.memref_slice %arg2[%dma_start3A_24, %dma_start3A_25] : memref<10000x128xf32, #tpu.memory_space<hbm>> -> memref<10000x128xf32, #tpu.memory_space<hbm>>
    tpu.enqueue_indirect_dma source(%dma_start3A_26 : memref<10000x128xf32, #tpu.memory_space<hbm>>) target(%arg13 : memref<128x128xf32, #tpu.memory_space<vmem>>) offsets(%dma_start3A_23 : memref<128xi32, #tpu.memory_space<vmem>>) semaphore(%arg16 : memref<!tpu.dma_semaphore, #tpu.memory_space<semaphore_mem>>)
    %scan3A = arith.constant 0 : i32
    %scan3A_27 = arith.constant 0 : i32
    %scan3A_28 = arith.constant 19 : i32
    %scan3A_29 = arith.addi %scan3A_27, %scan3A_28 : i32
    %scan3A_30 = arith.constant 1 : i32
    scf.for %scan3A_91 = %scan3A_27 to %scan3A_29 step %scan3A_30  : i32 {
      %mul3A_92 = arith.constant 2 : i32
      %mul3A_93 = arith.muli %mul3A_92, %scan3A_91 : i32
      %add3A_94 = arith.constant 1 : i32
      %add3A_95 = arith.addi %mul3A_93, %add3A_94 : i32
      %mul3A_96 = arith.constant 128 : i32
      %mul3A_97 = arith.muli %add3A_95, %mul3A_96 : i32
      %dma_start3A_98 = tpu.memref_slice %arg11[%mul3A_97] : memref<5120xi32, #tpu.memory_space<vmem>> -> memref<128xi32, #tpu.memory_space<vmem>>
      %dma_start3A_99 = arith.constant 0 : i32
      %dma_start3A_100 = arith.constant 0 : i32
      %dma_start3A_101 = tpu.memref_slice %arg2[%dma_start3A_99, %dma_start3A_100] : memref<10000x128xf32, #tpu.memory_space<hbm>> -> memref<10000x128xf32, #tpu.memory_space<hbm>>
      tpu.enqueue_indirect_dma source(%dma_start3A_101 : memref<10000x128xf32, #tpu.memory_space<hbm>>) target(%arg14 : memref<128x128xf32, #tpu.memory_space<vmem>>) offsets(%dma_start3A_98 : memref<128xi32, #tpu.memory_space<vmem>>) semaphore(%arg17 : memref<!tpu.dma_semaphore, #tpu.memory_space<semaphore_mem>>)
      %dma_wait3A_102 = arith.constant 0 : i32
      %dma_wait3A_103 = arith.constant 0 : i32
      %dma_wait3A_104 = tpu.memref_slice %arg2[%dma_wait3A_102, %dma_wait3A_103] : memref<10000x128xf32, #tpu.memory_space<hbm>> -> memref<128x128xf32, #tpu.memory_space<hbm>>
      %dma_wait3A_105 = arith.constant 0 : i32
      %dma_wait3A_106 = arith.constant 0 : i32
      %dma_wait3A_107 = tpu.memref_slice %arg2[%dma_wait3A_105, %dma_wait3A_106] : memref<10000x128xf32, #tpu.memory_space<hbm>> -> memref<128x128xf32, #tpu.memory_space<hbm>>
      tpu.wait_dma2 semaphore(%arg16 : memref<!tpu.dma_semaphore, #tpu.memory_space<semaphore_mem>>) src(%dma_wait3A_107 : memref<128x128xf32, #tpu.memory_space<hbm>>) dst(%arg13 : memref<128x128xf32, #tpu.memory_space<vmem>>)
      "tpu.region"() ({
        %run_scoped3A_124 = tpu.sem_alloc : memref<!tpu.dma_semaphore, #tpu.memory_space<semaphore_mem>>
        %dma_start3A_125 = arith.constant 0 : i32
        %dma_start3A_126 = tpu.memref_slice %arg12[%mul3A_93, %dma_start3A_125] : memref<40x128xi32, #tpu.memory_space<vmem>> -> memref<1x128xi32, #tpu.memory_space<vmem>>
        %dma_start3A_127 = tpu.memref_squeeze %dma_start3A_126 : memref<1x128xi32, #tpu.memory_space<vmem>> -> memref<128xi32, #tpu.memory_space<vmem>>
        %dma_start3A_128 = arith.constant 0 : i32
        %dma_start3A_129 = arith.constant 0 : i32
        %dma_start3A_130 = tpu.memref_slice %arg9[%dma_start3A_128, %dma_start3A_129] : memref<10240x128xf32, #tpu.memory_space<vmem_shared>> -> memref<10240x128xf32, #tpu.memory_space<vmem_shared>>
        tpu.enqueue_indirect_dma source(%arg13 : memref<128x128xf32, #tpu.memory_space<vmem>>) target(%dma_start3A_130 : memref<10240x128xf32, #tpu.memory_space<vmem_shared>>) offsets(%dma_start3A_127 : memref<128xi32, #tpu.memory_space<vmem>>) semaphore(%run_scoped3A_124 : memref<!tpu.dma_semaphore, #tpu.memory_space<semaphore_mem>>) {add = true}
        %dma_wait3A_131 = arith.constant 0 : i32
        %dma_wait3A_132 = tpu.memref_slice %arg12[%mul3A_93, %dma_wait3A_131] : memref<40x128xi32, #tpu.memory_space<vmem>> -> memref<1x128xi32, #tpu.memory_space<vmem>>
        %dma_wait3A_133 = tpu.memref_squeeze %dma_wait3A_132 : memref<1x128xi32, #tpu.memory_space<vmem>> -> memref<128xi32, #tpu.memory_space<vmem>>
        %dma_wait3A_134 = arith.constant 0 : i32
        %dma_wait3A_135 = arith.constant 0 : i32
        %dma_wait3A_136 = tpu.memref_slice %arg9[%dma_wait3A_134, %dma_wait3A_135] : memref<10240x128xf32, #tpu.memory_space<vmem_shared>> -> memref<10240x128xf32, #tpu.memory_space<vmem_shared>>
        tpu.wait_indirect_dma semaphore(%run_scoped3A_124 : memref<!tpu.dma_semaphore, #tpu.memory_space<semaphore_mem>>) src(%arg13 : memref<128x128xf32, #tpu.memory_space<vmem>>) dst(%dma_wait3A_136 : memref<10240x128xf32, #tpu.memory_space<vmem_shared>>)
        tpu.yield
      }) : () -> ()
      "tpu.region"() ({
        %run_scoped3A_124 = tpu.sem_alloc : memref<!tpu.dma_semaphore, #tpu.memory_space<semaphore_mem>>
        %dma_start3A_125 = arith.constant 0 : i32
        %dma_start3A_126 = tpu.memref_slice %arg12[%mul3A_93, %dma_start3A_125] : memref<40x128xi32, #tpu.memory_space<vmem>> -> memref<1x128xi32, #tpu.memory_space<vmem>>
        %dma_start3A_127 = tpu.memref_squeeze %dma_start3A_126 : memref<1x128xi32, #tpu.memory_space<vmem>> -> memref<128xi32, #tpu.memory_space<vmem>>
        %dma_start3A_128 = arith.constant 0 : i32
        %dma_start3A_129 = tpu.memref_slice %arg10[%dma_start3A_128] : memref<10240xf32, #tpu.memory_space<vmem_shared>> -> memref<10240xf32, #tpu.memory_space<vmem_shared>>
        tpu.enqueue_indirect_dma source(%arg15 : memref<128xf32, #tpu.memory_space<vmem>>) target(%dma_start3A_129 : memref<10240xf32, #tpu.memory_space<vmem_shared>>) offsets(%dma_start3A_127 : memref<128xi32, #tpu.memory_space<vmem>>) semaphore(%run_scoped3A_124 : memref<!tpu.dma_semaphore, #tpu.memory_space<semaphore_mem>>) {add = true}
        %dma_wait3A_130 = arith.constant 0 : i32
        %dma_wait3A_131 = tpu.memref_slice %arg12[%mul3A_93, %dma_wait3A_130] : memref<40x128xi32, #tpu.memory_space<vmem>> -> memref<1x128xi32, #tpu.memory_space<vmem>>
        %dma_wait3A_132 = tpu.memref_squeeze %dma_wait3A_131 : memref<1x128xi32, #tpu.memory_space<vmem>> -> memref<128xi32, #tpu.memory_space<vmem>>
        %dma_wait3A_133 = arith.constant 0 : i32
        %dma_wait3A_134 = tpu.memref_slice %arg10[%dma_wait3A_133] : memref<10240xf32, #tpu.memory_space<vmem_shared>> -> memref<10240xf32, #tpu.memory_space<vmem_shared>>
        tpu.wait_indirect_dma semaphore(%run_scoped3A_124 : memref<!tpu.dma_semaphore, #tpu.memory_space<semaphore_mem>>) src(%arg15 : memref<128xf32, #tpu.memory_space<vmem>>) dst(%dma_wait3A_134 : memref<10240xf32, #tpu.memory_space<vmem_shared>>)
        tpu.yield
      }) : () -> ()
      %add3A_108 = arith.constant 2 : i32
      %add3A_109 = arith.addi %mul3A_93, %add3A_108 : i32
      %mul3A_110 = arith.constant 128 : i32
      %mul3A_111 = arith.muli %add3A_109, %mul3A_110 : i32
      %dma_start3A_112 = tpu.memref_slice %arg11[%mul3A_111] : memref<5120xi32, #tpu.memory_space<vmem>> -> memref<128xi32, #tpu.memory_space<vmem>>
      %dma_start3A_113 = arith.constant 0 : i32
      %dma_start3A_114 = arith.constant 0 : i32
      %dma_start3A_115 = tpu.memref_slice %arg2[%dma_start3A_113, %dma_start3A_114] : memref<10000x128xf32, #tpu.memory_space<hbm>> -> memref<10000x128xf32, #tpu.memory_space<hbm>>
      tpu.enqueue_indirect_dma source(%dma_start3A_115 : memref<10000x128xf32, #tpu.memory_space<hbm>>) target(%arg13 : memref<128x128xf32, #tpu.memory_space<vmem>>) offsets(%dma_start3A_112 : memref<128xi32, #tpu.memory_space<vmem>>) semaphore(%arg16 : memref<!tpu.dma_semaphore, #tpu.memory_space<semaphore_mem>>)
      %dma_wait3A_116 = arith.constant 0 : i32
      %dma_wait3A_117 = arith.constant 0 : i32
      %dma_wait3A_118 = tpu.memref_slice %arg2[%dma_wait3A_116, %dma_wait3A_117] : memref<10000x128xf32, #tpu.memory_space<hbm>> -> memref<128x128xf32, #tpu.memory_space<hbm>>
      %dma_wait3A_119 = arith.constant 0 : i32
      %dma_wait3A_120 = arith.constant 0 : i32
      %dma_wait3A_121 = tpu.memref_slice %arg2[%dma_wait3A_119, %dma_wait3A_120] : memref<10000x128xf32, #tpu.memory_space<hbm>> -> memref<128x128xf32, #tpu.memory_space<hbm>>
      tpu.wait_dma2 semaphore(%arg17 : memref<!tpu.dma_semaphore, #tpu.memory_space<semaphore_mem>>) src(%dma_wait3A_121 : memref<128x128xf32, #tpu.memory_space<hbm>>) dst(%arg14 : memref<128x128xf32, #tpu.memory_space<vmem>>)
      %add3A_122 = arith.constant 1 : i32
      %add3A_123 = arith.addi %mul3A_93, %add3A_122 : i32
      "tpu.region"() ({
        %run_scoped3A_124 = tpu.sem_alloc : memref<!tpu.dma_semaphore, #tpu.memory_space<semaphore_mem>>
        %dma_start3A_125 = arith.constant 0 : i32
        %dma_start3A_126 = tpu.memref_slice %arg12[%add3A_123, %dma_start3A_125] : memref<40x128xi32, #tpu.memory_space<vmem>> -> memref<1x128xi32, #tpu.memory_space<vmem>>
        %dma_start3A_127 = tpu.memref_squeeze %dma_start3A_126 : memref<1x128xi32, #tpu.memory_space<vmem>> -> memref<128xi32, #tpu.memory_space<vmem>>
        %dma_start3A_128 = arith.constant 0 : i32
        %dma_start3A_129 = arith.constant 0 : i32
        %dma_start3A_130 = tpu.memref_slice %arg9[%dma_start3A_128, %dma_start3A_129] : memref<10240x128xf32, #tpu.memory_space<vmem_shared>> -> memref<10240x128xf32, #tpu.memory_space<vmem_shared>>
        tpu.enqueue_indirect_dma source(%arg14 : memref<128x128xf32, #tpu.memory_space<vmem>>) target(%dma_start3A_130 : memref<10240x128xf32, #tpu.memory_space<vmem_shared>>) offsets(%dma_start3A_127 : memref<128xi32, #tpu.memory_space<vmem>>) semaphore(%run_scoped3A_124 : memref<!tpu.dma_semaphore, #tpu.memory_space<semaphore_mem>>) {add = true}
        %dma_wait3A_131 = arith.constant 0 : i32
        %dma_wait3A_132 = tpu.memref_slice %arg12[%add3A_123, %dma_wait3A_131] : memref<40x128xi32, #tpu.memory_space<vmem>> -> memref<1x128xi32, #tpu.memory_space<vmem>>
        %dma_wait3A_133 = tpu.memref_squeeze %dma_wait3A_132 : memref<1x128xi32, #tpu.memory_space<vmem>> -> memref<128xi32, #tpu.memory_space<vmem>>
        %dma_wait3A_134 = arith.constant 0 : i32
        %dma_wait3A_135 = arith.constant 0 : i32
        %dma_wait3A_136 = tpu.memref_slice %arg9[%dma_wait3A_134, %dma_wait3A_135] : memref<10240x128xf32, #tpu.memory_space<vmem_shared>> -> memref<10240x128xf32, #tpu.memory_space<vmem_shared>>
        tpu.wait_indirect_dma semaphore(%run_scoped3A_124 : memref<!tpu.dma_semaphore, #tpu.memory_space<semaphore_mem>>) src(%arg14 : memref<128x128xf32, #tpu.memory_space<vmem>>) dst(%dma_wait3A_136 : memref<10240x128xf32, #tpu.memory_space<vmem_shared>>)
        tpu.yield
      }) : () -> ()
      "tpu.region"() ({
        %run_scoped3A_124 = tpu.sem_alloc : memref<!tpu.dma_semaphore, #tpu.memory_space<semaphore_mem>>
        %dma_start3A_125 = arith.constant 0 : i32
        %dma_start3A_126 = tpu.memref_slice %arg12[%add3A_123, %dma_start3A_125] : memref<40x128xi32, #tpu.memory_space<vmem>> -> memref<1x128xi32, #tpu.memory_space<vmem>>
        %dma_start3A_127 = tpu.memref_squeeze %dma_start3A_126 : memref<1x128xi32, #tpu.memory_space<vmem>> -> memref<128xi32, #tpu.memory_space<vmem>>
        %dma_start3A_128 = arith.constant 0 : i32
        %dma_start3A_129 = tpu.memref_slice %arg10[%dma_start3A_128] : memref<10240xf32, #tpu.memory_space<vmem_shared>> -> memref<10240xf32, #tpu.memory_space<vmem_shared>>
        tpu.enqueue_indirect_dma source(%arg15 : memref<128xf32, #tpu.memory_space<vmem>>) target(%dma_start3A_129 : memref<10240xf32, #tpu.memory_space<vmem_shared>>) offsets(%dma_start3A_127 : memref<128xi32, #tpu.memory_space<vmem>>) semaphore(%run_scoped3A_124 : memref<!tpu.dma_semaphore, #tpu.memory_space<semaphore_mem>>) {add = true}
        %dma_wait3A_130 = arith.constant 0 : i32
        %dma_wait3A_131 = tpu.memref_slice %arg12[%add3A_123, %dma_wait3A_130] : memref<40x128xi32, #tpu.memory_space<vmem>> -> memref<1x128xi32, #tpu.memory_space<vmem>>
        %dma_wait3A_132 = tpu.memref_squeeze %dma_wait3A_131 : memref<1x128xi32, #tpu.memory_space<vmem>> -> memref<128xi32, #tpu.memory_space<vmem>>
        %dma_wait3A_133 = arith.constant 0 : i32
        %dma_wait3A_134 = tpu.memref_slice %arg10[%dma_wait3A_133] : memref<10240xf32, #tpu.memory_space<vmem_shared>> -> memref<10240xf32, #tpu.memory_space<vmem_shared>>
        tpu.wait_indirect_dma semaphore(%run_scoped3A_124 : memref<!tpu.dma_semaphore, #tpu.memory_space<semaphore_mem>>) src(%arg15 : memref<128xf32, #tpu.memory_space<vmem>>) dst(%dma_wait3A_134 : memref<10240xf32, #tpu.memory_space<vmem_shared>>)
        tpu.yield
      }) : () -> ()
    }
    %scan3A_31 = arith.constant 19 : i32
    %dma_start3A_32 = arith.constant 4992 : i32
    %dma_start3A_33 = tpu.memref_slice %arg11[%dma_start3A_32] : memref<5120xi32, #tpu.memory_space<vmem>> -> memref<128xi32, #tpu.memory_space<vmem>>
    %dma_start3A_34 = arith.constant 0 : i32
    %dma_start3A_35 = arith.constant 0 : i32
    %dma_start3A_36 = tpu.memref_slice %arg2[%dma_start3A_34, %dma_start3A_35] : memref<10000x128xf32, #tpu.memory_space<hbm>> -> memref<10000x128xf32, #tpu.memory_space<hbm>>
    tpu.enqueue_indirect_dma source(%dma_start3A_36 : memref<10000x128xf32, #tpu.memory_space<hbm>>) target(%arg14 : memref<128x128xf32, #tpu.memory_space<vmem>>) offsets(%dma_start3A_33 : memref<128xi32, #tpu.memory_space<vmem>>) semaphore(%arg17 : memref<!tpu.dma_semaphore, #tpu.memory_space<semaphore_mem>>)
    %dma_wait3A = arith.constant 0 : i32
    %dma_wait3A_37 = arith.constant 0 : i32
    %dma_wait3A_38 = tpu.memref_slice %arg2[%dma_wait3A, %dma_wait3A_37] : memref<10000x128xf32, #tpu.memory_space<hbm>> -> memref<128x128xf32, #tpu.memory_space<hbm>>
    %dma_wait3A_39 = arith.constant 0 : i32
    %dma_wait3A_40 = arith.constant 0 : i32
    %dma_wait3A_41 = tpu.memref_slice %arg2[%dma_wait3A_39, %dma_wait3A_40] : memref<10000x128xf32, #tpu.memory_space<hbm>> -> memref<128x128xf32, #tpu.memory_space<hbm>>
    tpu.wait_dma2 semaphore(%arg16 : memref<!tpu.dma_semaphore, #tpu.memory_space<semaphore_mem>>) src(%dma_wait3A_41 : memref<128x128xf32, #tpu.memory_space<hbm>>) dst(%arg13 : memref<128x128xf32, #tpu.memory_space<vmem>>)
    %run_scoped3A = arith.constant 38 : i32
    "tpu.region"() ({
      %run_scoped3A_91 = tpu.sem_alloc : memref<!tpu.dma_semaphore, #tpu.memory_space<semaphore_mem>>
      %dma_start3A_92 = arith.constant 0 : i32
      %dma_start3A_93 = tpu.memref_slice %arg12[%run_scoped3A, %dma_start3A_92] : memref<40x128xi32, #tpu.memory_space<vmem>> -> memref<1x128xi32, #tpu.memory_space<vmem>>
      %dma_start3A_94 = tpu.memref_squeeze %dma_start3A_93 : memref<1x128xi32, #tpu.memory_space<vmem>> -> memref<128xi32, #tpu.memory_space<vmem>>
      %dma_start3A_95 = arith.constant 0 : i32
      %dma_start3A_96 = arith.constant 0 : i32
      %dma_start3A_97 = tpu.memref_slice %arg9[%dma_start3A_95, %dma_start3A_96] : memref<10240x128xf32, #tpu.memory_space<vmem_shared>> -> memref<10240x128xf32, #tpu.memory_space<vmem_shared>>
      tpu.enqueue_indirect_dma source(%arg13 : memref<128x128xf32, #tpu.memory_space<vmem>>) target(%dma_start3A_97 : memref<10240x128xf32, #tpu.memory_space<vmem_shared>>) offsets(%dma_start3A_94 : memref<128xi32, #tpu.memory_space<vmem>>) semaphore(%run_scoped3A_91 : memref<!tpu.dma_semaphore, #tpu.memory_space<semaphore_mem>>) {add = true}
      %dma_wait3A_98 = arith.constant 0 : i32
      %dma_wait3A_99 = tpu.memref_slice %arg12[%run_scoped3A, %dma_wait3A_98] : memref<40x128xi32, #tpu.memory_space<vmem>> -> memref<1x128xi32, #tpu.memory_space<vmem>>
      %dma_wait3A_100 = tpu.memref_squeeze %dma_wait3A_99 : memref<1x128xi32, #tpu.memory_space<vmem>> -> memref<128xi32, #tpu.memory_space<vmem>>
      %dma_wait3A_101 = arith.constant 0 : i32
      %dma_wait3A_102 = arith.constant 0 : i32
      %dma_wait3A_103 = tpu.memref_slice %arg9[%dma_wait3A_101, %dma_wait3A_102] : memref<10240x128xf32, #tpu.memory_space<vmem_shared>> -> memref<10240x128xf32, #tpu.memory_space<vmem_shared>>
      tpu.wait_indirect_dma semaphore(%run_scoped3A_91 : memref<!tpu.dma_semaphore, #tpu.memory_space<semaphore_mem>>) src(%arg13 : memref<128x128xf32, #tpu.memory_space<vmem>>) dst(%dma_wait3A_103 : memref<10240x128xf32, #tpu.memory_space<vmem_shared>>)
      tpu.yield
    }) : () -> ()
    %run_scoped3A_42 = arith.constant 38 : i32
    "tpu.region"() ({
      %run_scoped3A_91 = tpu.sem_alloc : memref<!tpu.dma_semaphore, #tpu.memory_space<semaphore_mem>>
      %dma_start3A_92 = arith.constant 0 : i32
      %dma_start3A_93 = tpu.memref_slice %arg12[%run_scoped3A_42, %dma_start3A_92] : memref<40x128xi32, #tpu.memory_space<vmem>> -> memref<1x128xi32, #tpu.memory_space<vmem>>
      %dma_start3A_94 = tpu.memref_squeeze %dma_start3A_93 : memref<1x128xi32, #tpu.memory_space<vmem>> -> memref<128xi32, #tpu.memory_space<vmem>>
      %dma_start3A_95 = arith.constant 0 : i32
      %dma_start3A_96 = tpu.memref_slice %arg10[%dma_start3A_95] : memref<10240xf32, #tpu.memory_space<vmem_shared>> -> memref<10240xf32, #tpu.memory_space<vmem_shared>>
      tpu.enqueue_indirect_dma source(%arg15 : memref<128xf32, #tpu.memory_space<vmem>>) target(%dma_start3A_96 : memref<10240xf32, #tpu.memory_space<vmem_shared>>) offsets(%dma_start3A_94 : memref<128xi32, #tpu.memory_space<vmem>>) semaphore(%run_scoped3A_91 : memref<!tpu.dma_semaphore, #tpu.memory_space<semaphore_mem>>) {add = true}
      %dma_wait3A_97 = arith.constant 0 : i32
      %dma_wait3A_98 = tpu.memref_slice %arg12[%run_scoped3A_42, %dma_wait3A_97] : memref<40x128xi32, #tpu.memory_space<vmem>> -> memref<1x128xi32, #tpu.memory_space<vmem>>
      %dma_wait3A_99 = tpu.memref_squeeze %dma_wait3A_98 : memref<1x128xi32, #tpu.memory_space<vmem>> -> memref<128xi32, #tpu.memory_space<vmem>>
      %dma_wait3A_100 = arith.constant 0 : i32
      %dma_wait3A_101 = tpu.memref_slice %arg10[%dma_wait3A_100] : memref<10240xf32, #tpu.memory_space<vmem_shared>> -> memref<10240xf32, #tpu.memory_space<vmem_shared>>
      tpu.wait_indirect_dma semaphore(%run_scoped3A_91 : memref<!tpu.dma_semaphore, #tpu.memory_space<semaphore_mem>>) src(%arg15 : memref<128xf32, #tpu.memory_space<vmem>>) dst(%dma_wait3A_101 : memref<10240xf32, #tpu.memory_space<vmem_shared>>)
      tpu.yield
    }) : () -> ()
    %dma_wait3A_43 = arith.constant 0 : i32
    %dma_wait3A_44 = arith.constant 0 : i32
    %dma_wait3A_45 = tpu.memref_slice %arg2[%dma_wait3A_43, %dma_wait3A_44] : memref<10000x128xf32, #tpu.memory_space<hbm>> -> memref<128x128xf32, #tpu.memory_space<hbm>>
    %dma_wait3A_46 = arith.constant 0 : i32
    %dma_wait3A_47 = arith.constant 0 : i32
    %dma_wait3A_48 = tpu.memref_slice %arg2[%dma_wait3A_46, %dma_wait3A_47] : memref<10000x128xf32, #tpu.memory_space<hbm>> -> memref<128x128xf32, #tpu.memory_space<hbm>>
    tpu.wait_dma2 semaphore(%arg17 : memref<!tpu.dma_semaphore, #tpu.memory_space<semaphore_mem>>) src(%dma_wait3A_48 : memref<128x128xf32, #tpu.memory_space<hbm>>) dst(%arg14 : memref<128x128xf32, #tpu.memory_space<vmem>>)
    %run_scoped3A_49 = arith.constant 39 : i32
    "tpu.region"() ({
      %run_scoped3A_91 = tpu.sem_alloc : memref<!tpu.dma_semaphore, #tpu.memory_space<semaphore_mem>>
      %dma_start3A_92 = arith.constant 0 : i32
      %dma_start3A_93 = tpu.memref_slice %arg12[%run_scoped3A_49, %dma_start3A_92] : memref<40x128xi32, #tpu.memory_space<vmem>> -> memref<1x128xi32, #tpu.memory_space<vmem>>
      %dma_start3A_94 = tpu.memref_squeeze %dma_start3A_93 : memref<1x128xi32, #tpu.memory_space<vmem>> -> memref<128xi32, #tpu.memory_space<vmem>>
      %dma_start3A_95 = arith.constant 0 : i32
      %dma_start3A_96 = arith.constant 0 : i32
      %dma_start3A_97 = tpu.memref_slice %arg9[%dma_start3A_95, %dma_start3A_96] : memref<10240x128xf32, #tpu.memory_space<vmem_shared>> -> memref<10240x128xf32, #tpu.memory_space<vmem_shared>>
      tpu.enqueue_indirect_dma source(%arg14 : memref<128x128xf32, #tpu.memory_space<vmem>>) target(%dma_start3A_97 : memref<10240x128xf32, #tpu.memory_space<vmem_shared>>) offsets(%dma_start3A_94 : memref<128xi32, #tpu.memory_space<vmem>>) semaphore(%run_scoped3A_91 : memref<!tpu.dma_semaphore, #tpu.memory_space<semaphore_mem>>) {add = true}
      %dma_wait3A_98 = arith.constant 0 : i32
      %dma_wait3A_99 = tpu.memref_slice %arg12[%run_scoped3A_49, %dma_wait3A_98] : memref<40x128xi32, #tpu.memory_space<vmem>> -> memref<1x128xi32, #tpu.memory_space<vmem>>
      %dma_wait3A_100 = tpu.memref_squeeze %dma_wait3A_99 : memref<1x128xi32, #tpu.memory_space<vmem>> -> memref<128xi32, #tpu.memory_space<vmem>>
      %dma_wait3A_101 = arith.constant 0 : i32
      %dma_wait3A_102 = arith.constant 0 : i32
      %dma_wait3A_103 = tpu.memref_slice %arg9[%dma_wait3A_101, %dma_wait3A_102] : memref<10240x128xf32, #tpu.memory_space<vmem_shared>> -> memref<10240x128xf32, #tpu.memory_space<vmem_shared>>
      tpu.wait_indirect_dma semaphore(%run_scoped3A_91 : memref<!tpu.dma_semaphore, #tpu.memory_space<semaphore_mem>>) src(%arg14 : memref<128x128xf32, #tpu.memory_space<vmem>>) dst(%dma_wait3A_103 : memref<10240x128xf32, #tpu.memory_space<vmem_shared>>)
      tpu.yield
    }) : () -> ()
    %run_scoped3A_50 = arith.constant 39 : i32
    "tpu.region"() ({
      %run_scoped3A_91 = tpu.sem_alloc : memref<!tpu.dma_semaphore, #tpu.memory_space<semaphore_mem>>
      %dma_start3A_92 = arith.constant 0 : i32
      %dma_start3A_93 = tpu.memref_slice %arg12[%run_scoped3A_50, %dma_start3A_92] : memref<40x128xi32, #tpu.memory_space<vmem>> -> memref<1x128xi32, #tpu.memory_space<vmem>>
      %dma_start3A_94 = tpu.memref_squeeze %dma_start3A_93 : memref<1x128xi32, #tpu.memory_space<vmem>> -> memref<128xi32, #tpu.memory_space<vmem>>
      %dma_start3A_95 = arith.constant 0 : i32
      %dma_start3A_96 = tpu.memref_slice %arg10[%dma_start3A_95] : memref<10240xf32, #tpu.memory_space<vmem_shared>> -> memref<10240xf32, #tpu.memory_space<vmem_shared>>
      tpu.enqueue_indirect_dma source(%arg15 : memref<128xf32, #tpu.memory_space<vmem>>) target(%dma_start3A_96 : memref<10240xf32, #tpu.memory_space<vmem_shared>>) offsets(%dma_start3A_94 : memref<128xi32, #tpu.memory_space<vmem>>) semaphore(%run_scoped3A_91 : memref<!tpu.dma_semaphore, #tpu.memory_space<semaphore_mem>>) {add = true}
      %dma_wait3A_97 = arith.constant 0 : i32
      %dma_wait3A_98 = tpu.memref_slice %arg12[%run_scoped3A_50, %dma_wait3A_97] : memref<40x128xi32, #tpu.memory_space<vmem>> -> memref<1x128xi32, #tpu.memory_space<vmem>>
      %dma_wait3A_99 = tpu.memref_squeeze %dma_wait3A_98 : memref<1x128xi32, #tpu.memory_space<vmem>> -> memref<128xi32, #tpu.memory_space<vmem>>
      %dma_wait3A_100 = arith.constant 0 : i32
      %dma_wait3A_101 = tpu.memref_slice %arg10[%dma_wait3A_100] : memref<10240xf32, #tpu.memory_space<vmem_shared>> -> memref<10240xf32, #tpu.memory_space<vmem_shared>>
      tpu.wait_indirect_dma semaphore(%run_scoped3A_91 : memref<!tpu.dma_semaphore, #tpu.memory_space<semaphore_mem>>) src(%arg15 : memref<128xf32, #tpu.memory_space<vmem>>) dst(%dma_wait3A_101 : memref<10240xf32, #tpu.memory_space<vmem_shared>>)
      tpu.yield
    }) : () -> ()
    %mul3A_51 = arith.constant 2 : i32
    %mul3A_52 = arith.muli %add3A, %mul3A_51 : i32
    %add3A_53 = arith.constant 1 : i32
    %add3A_54 = arith.addi %mul3A_52, %add3A_53 : i32
    "tpu.region"() ({
      %run_scoped3A_91 = tpu.sem_alloc : memref<!tpu.dma_semaphore, #tpu.memory_space<semaphore_mem>>
      %dma_start3A_92 = arith.constant 0 : i32
      %dma_start3A_93 = tpu.memref_slice %arg3[%add3A_54, %dma_start3A_92] : memref<64x5120xi32, #tpu.memory_space<hbm>> -> memref<1x5120xi32, #tpu.memory_space<hbm>>
      %dma_start3A_94 = tpu.memref_squeeze %dma_start3A_93 : memref<1x5120xi32, #tpu.memory_space<hbm>> -> memref<5120xi32, #tpu.memory_space<hbm>>
      %dma_start3A_95 = arith.constant 0 : i32
      %dma_start3A_96 = tpu.memref_slice %arg3[%add3A_54, %dma_start3A_95] : memref<64x5120xi32, #tpu.memory_space<hbm>> -> memref<1x5120xi32, #tpu.memory_space<hbm>>
      %dma_start3A_97 = tpu.memref_squeeze %dma_start3A_96 : memref<1x5120xi32, #tpu.memory_space<hbm>> -> memref<5120xi32, #tpu.memory_space<hbm>>
      tpu.enqueue_dma source(%dma_start3A_97 : memref<5120xi32, #tpu.memory_space<hbm>>) target(%arg11 : memref<5120xi32, #tpu.memory_space<vmem>>) target_semaphore(%run_scoped3A_91 : memref<!tpu.dma_semaphore, #tpu.memory_space<semaphore_mem>>)
      %dma_wait3A_98 = arith.constant 0 : i32
      %dma_wait3A_99 = tpu.memref_slice %arg3[%add3A_54, %dma_wait3A_98] : memref<64x5120xi32, #tpu.memory_space<hbm>> -> memref<1x5120xi32, #tpu.memory_space<hbm>>
      %dma_wait3A_100 = tpu.memref_squeeze %dma_wait3A_99 : memref<1x5120xi32, #tpu.memory_space<hbm>> -> memref<5120xi32, #tpu.memory_space<hbm>>
      %dma_wait3A_101 = arith.constant 0 : i32
      %dma_wait3A_102 = tpu.memref_slice %arg3[%add3A_54, %dma_wait3A_101] : memref<64x5120xi32, #tpu.memory_space<hbm>> -> memref<1x5120xi32, #tpu.memory_space<hbm>>
      %dma_wait3A_103 = tpu.memref_squeeze %dma_wait3A_102 : memref<1x5120xi32, #tpu.memory_space<hbm>> -> memref<5120xi32, #tpu.memory_space<hbm>>
      tpu.wait_dma2 semaphore(%run_scoped3A_91 : memref<!tpu.dma_semaphore, #tpu.memory_space<semaphore_mem>>) src(%dma_wait3A_103 : memref<5120xi32, #tpu.memory_space<hbm>>) dst(%arg11 : memref<5120xi32, #tpu.memory_space<vmem>>)
      tpu.yield
    }) : () -> ()
    "tpu.region"() ({
      %run_scoped3A_91 = tpu.sem_alloc : memref<!tpu.dma_semaphore, #tpu.memory_space<semaphore_mem>>
      %dma_start3A_92 = arith.constant 0 : i32
      %dma_start3A_93 = arith.constant 0 : i32
      %dma_start3A_94 = tpu.memref_slice %arg4[%add3A_54, %dma_start3A_92, %dma_start3A_93] : memref<64x40x128xi32, #tpu.memory_space<hbm>> -> memref<1x40x128xi32, #tpu.memory_space<hbm>>
      %dma_start3A_95 = tpu.memref_squeeze %dma_start3A_94 : memref<1x40x128xi32, #tpu.memory_space<hbm>> -> memref<40x128xi32, #tpu.memory_space<hbm>>
      %dma_start3A_96 = arith.constant 0 : i32
      %dma_start3A_97 = arith.constant 0 : i32
      %dma_start3A_98 = tpu.memref_slice %arg4[%add3A_54, %dma_start3A_96, %dma_start3A_97] : memref<64x40x128xi32, #tpu.memory_space<hbm>> -> memref<1x40x128xi32, #tpu.memory_space<hbm>>
      %dma_start3A_99 = tpu.memref_squeeze %dma_start3A_98 : memref<1x40x128xi32, #tpu.memory_space<hbm>> -> memref<40x128xi32, #tpu.memory_space<hbm>>
      tpu.enqueue_dma source(%dma_start3A_99 : memref<40x128xi32, #tpu.memory_space<hbm>>) target(%arg12 : memref<40x128xi32, #tpu.memory_space<vmem>>) target_semaphore(%run_scoped3A_91 : memref<!tpu.dma_semaphore, #tpu.memory_space<semaphore_mem>>)
      %dma_wait3A_100 = arith.constant 0 : i32
      %dma_wait3A_101 = arith.constant 0 : i32
      %dma_wait3A_102 = tpu.memref_slice %arg4[%add3A_54, %dma_wait3A_100, %dma_wait3A_101] : memref<64x40x128xi32, #tpu.memory_space<hbm>> -> memref<1x40x128xi32, #tpu.memory_space<hbm>>
      %dma_wait3A_103 = tpu.memref_squeeze %dma_wait3A_102 : memref<1x40x128xi32, #tpu.memory_space<hbm>> -> memref<40x128xi32, #tpu.memory_space<hbm>>
      %dma_wait3A_104 = arith.constant 0 : i32
      %dma_wait3A_105 = arith.constant 0 : i32
      %dma_wait3A_106 = tpu.memref_slice %arg4[%add3A_54, %dma_wait3A_104, %dma_wait3A_105] : memref<64x40x128xi32, #tpu.memory_space<hbm>> -> memref<1x40x128xi32, #tpu.memory_space<hbm>>
      %dma_wait3A_107 = tpu.memref_squeeze %dma_wait3A_106 : memref<1x40x128xi32, #tpu.memory_space<hbm>> -> memref<40x128xi32, #tpu.memory_space<hbm>>
      tpu.wait_dma2 semaphore(%run_scoped3A_91 : memref<!tpu.dma_semaphore, #tpu.memory_space<semaphore_mem>>) src(%dma_wait3A_107 : memref<40x128xi32, #tpu.memory_space<hbm>>) dst(%arg12 : memref<40x128xi32, #tpu.memory_space<vmem>>)
      tpu.yield
    }) : () -> ()
    %dma_start3A_55 = arith.constant 0 : i32
    %dma_start3A_56 = tpu.memref_slice %arg11[%dma_start3A_55] : memref<5120xi32, #tpu.memory_space<vmem>> -> memref<128xi32, #tpu.memory_space<vmem>>
    %dma_start3A_57 = arith.constant 0 : i32
    %dma_start3A_58 = arith.constant 0 : i32
    %dma_start3A_59 = tpu.memref_slice %arg2[%dma_start3A_57, %dma_start3A_58] : memref<10000x128xf32, #tpu.memory_space<hbm>> -> memref<10000x128xf32, #tpu.memory_space<hbm>>
    tpu.enqueue_indirect_dma source(%dma_start3A_59 : memref<10000x128xf32, #tpu.memory_space<hbm>>) target(%arg13 : memref<128x128xf32, #tpu.memory_space<vmem>>) offsets(%dma_start3A_56 : memref<128xi32, #tpu.memory_space<vmem>>) semaphore(%arg16 : memref<!tpu.dma_semaphore, #tpu.memory_space<semaphore_mem>>)
    %scan3A_60 = arith.constant 0 : i32
    %scan3A_61 = arith.constant 0 : i32
    %scan3A_62 = arith.constant 19 : i32
    %scan3A_63 = arith.addi %scan3A_61, %scan3A_62 : i32
    %scan3A_64 = arith.constant 1 : i32
    scf.for %scan3A_91 = %scan3A_61 to %scan3A_63 step %scan3A_64  : i32 {
      %mul3A_92 = arith.constant 2 : i32
      %mul3A_93 = arith.muli %mul3A_92, %scan3A_91 : i32
      %add3A_94 = arith.constant 1 : i32
      %add3A_95 = arith.addi %mul3A_93, %add3A_94 : i32
      %mul3A_96 = arith.constant 128 : i32
      %mul3A_97 = arith.muli %add3A_95, %mul3A_96 : i32
      %dma_start3A_98 = tpu.memref_slice %arg11[%mul3A_97] : memref<5120xi32, #tpu.memory_space<vmem>> -> memref<128xi32, #tpu.memory_space<vmem>>
      %dma_start3A_99 = arith.constant 0 : i32
      %dma_start3A_100 = arith.constant 0 : i32
      %dma_start3A_101 = tpu.memref_slice %arg2[%dma_start3A_99, %dma_start3A_100] : memref<10000x128xf32, #tpu.memory_space<hbm>> -> memref<10000x128xf32, #tpu.memory_space<hbm>>
      tpu.enqueue_indirect_dma source(%dma_start3A_101 : memref<10000x128xf32, #tpu.memory_space<hbm>>) target(%arg14 : memref<128x128xf32, #tpu.memory_space<vmem>>) offsets(%dma_start3A_98 : memref<128xi32, #tpu.memory_space<vmem>>) semaphore(%arg17 : memref<!tpu.dma_semaphore, #tpu.memory_space<semaphore_mem>>)
      %dma_wait3A_102 = arith.constant 0 : i32
      %dma_wait3A_103 = arith.constant 0 : i32
      %dma_wait3A_104 = tpu.memref_slice %arg2[%dma_wait3A_102, %dma_wait3A_103] : memref<10000x128xf32, #tpu.memory_space<hbm>> -> memref<128x128xf32, #tpu.memory_space<hbm>>
      %dma_wait3A_105 = arith.constant 0 : i32
      %dma_wait3A_106 = arith.constant 0 : i32
      %dma_wait3A_107 = tpu.memref_slice %arg2[%dma_wait3A_105, %dma_wait3A_106] : memref<10000x128xf32, #tpu.memory_space<hbm>> -> memref<128x128xf32, #tpu.memory_space<hbm>>
      tpu.wait_dma2 semaphore(%arg16 : memref<!tpu.dma_semaphore, #tpu.memory_space<semaphore_mem>>) src(%dma_wait3A_107 : memref<128x128xf32, #tpu.memory_space<hbm>>) dst(%arg13 : memref<128x128xf32, #tpu.memory_space<vmem>>)
      "tpu.region"() ({
        %run_scoped3A_124 = tpu.sem_alloc : memref<!tpu.dma_semaphore, #tpu.memory_space<semaphore_mem>>
        %dma_start3A_125 = arith.constant 0 : i32
        %dma_start3A_126 = tpu.memref_slice %arg12[%mul3A_93, %dma_start3A_125] : memref<40x128xi32, #tpu.memory_space<vmem>> -> memref<1x128xi32, #tpu.memory_space<vmem>>
        %dma_start3A_127 = tpu.memref_squeeze %dma_start3A_126 : memref<1x128xi32, #tpu.memory_space<vmem>> -> memref<128xi32, #tpu.memory_space<vmem>>
        %dma_start3A_128 = arith.constant 0 : i32
        %dma_start3A_129 = arith.constant 0 : i32
        %dma_start3A_130 = tpu.memref_slice %arg9[%dma_start3A_128, %dma_start3A_129] : memref<10240x128xf32, #tpu.memory_space<vmem_shared>> -> memref<10240x128xf32, #tpu.memory_space<vmem_shared>>
        tpu.enqueue_indirect_dma source(%arg13 : memref<128x128xf32, #tpu.memory_space<vmem>>) target(%dma_start3A_130 : memref<10240x128xf32, #tpu.memory_space<vmem_shared>>) offsets(%dma_start3A_127 : memref<128xi32, #tpu.memory_space<vmem>>) semaphore(%run_scoped3A_124 : memref<!tpu.dma_semaphore, #tpu.memory_space<semaphore_mem>>) {add = true}
        %dma_wait3A_131 = arith.constant 0 : i32
        %dma_wait3A_132 = tpu.memref_slice %arg12[%mul3A_93, %dma_wait3A_131] : memref<40x128xi32, #tpu.memory_space<vmem>> -> memref<1x128xi32, #tpu.memory_space<vmem>>
        %dma_wait3A_133 = tpu.memref_squeeze %dma_wait3A_132 : memref<1x128xi32, #tpu.memory_space<vmem>> -> memref<128xi32, #tpu.memory_space<vmem>>
        %dma_wait3A_134 = arith.constant 0 : i32
        %dma_wait3A_135 = arith.constant 0 : i32
        %dma_wait3A_136 = tpu.memref_slice %arg9[%dma_wait3A_134, %dma_wait3A_135] : memref<10240x128xf32, #tpu.memory_space<vmem_shared>> -> memref<10240x128xf32, #tpu.memory_space<vmem_shared>>
        tpu.wait_indirect_dma semaphore(%run_scoped3A_124 : memref<!tpu.dma_semaphore, #tpu.memory_space<semaphore_mem>>) src(%arg13 : memref<128x128xf32, #tpu.memory_space<vmem>>) dst(%dma_wait3A_136 : memref<10240x128xf32, #tpu.memory_space<vmem_shared>>)
        tpu.yield
      }) : () -> ()
      "tpu.region"() ({
        %run_scoped3A_124 = tpu.sem_alloc : memref<!tpu.dma_semaphore, #tpu.memory_space<semaphore_mem>>
        %dma_start3A_125 = arith.constant 0 : i32
        %dma_start3A_126 = tpu.memref_slice %arg12[%mul3A_93, %dma_start3A_125] : memref<40x128xi32, #tpu.memory_space<vmem>> -> memref<1x128xi32, #tpu.memory_space<vmem>>
        %dma_start3A_127 = tpu.memref_squeeze %dma_start3A_126 : memref<1x128xi32, #tpu.memory_space<vmem>> -> memref<128xi32, #tpu.memory_space<vmem>>
        %dma_start3A_128 = arith.constant 0 : i32
        %dma_start3A_129 = tpu.memref_slice %arg10[%dma_start3A_128] : memref<10240xf32, #tpu.memory_space<vmem_shared>> -> memref<10240xf32, #tpu.memory_space<vmem_shared>>
        tpu.enqueue_indirect_dma source(%arg15 : memref<128xf32, #tpu.memory_space<vmem>>) target(%dma_start3A_129 : memref<10240xf32, #tpu.memory_space<vmem_shared>>) offsets(%dma_start3A_127 : memref<128xi32, #tpu.memory_space<vmem>>) semaphore(%run_scoped3A_124 : memref<!tpu.dma_semaphore, #tpu.memory_space<semaphore_mem>>) {add = true}
        %dma_wait3A_130 = arith.constant 0 : i32
        %dma_wait3A_131 = tpu.memref_slice %arg12[%mul3A_93, %dma_wait3A_130] : memref<40x128xi32, #tpu.memory_space<vmem>> -> memref<1x128xi32, #tpu.memory_space<vmem>>
        %dma_wait3A_132 = tpu.memref_squeeze %dma_wait3A_131 : memref<1x128xi32, #tpu.memory_space<vmem>> -> memref<128xi32, #tpu.memory_space<vmem>>
        %dma_wait3A_133 = arith.constant 0 : i32
        %dma_wait3A_134 = tpu.memref_slice %arg10[%dma_wait3A_133] : memref<10240xf32, #tpu.memory_space<vmem_shared>> -> memref<10240xf32, #tpu.memory_space<vmem_shared>>
        tpu.wait_indirect_dma semaphore(%run_scoped3A_124 : memref<!tpu.dma_semaphore, #tpu.memory_space<semaphore_mem>>) src(%arg15 : memref<128xf32, #tpu.memory_space<vmem>>) dst(%dma_wait3A_134 : memref<10240xf32, #tpu.memory_space<vmem_shared>>)
        tpu.yield
      }) : () -> ()
      %add3A_108 = arith.constant 2 : i32
      %add3A_109 = arith.addi %mul3A_93, %add3A_108 : i32
      %mul3A_110 = arith.constant 128 : i32
      %mul3A_111 = arith.muli %add3A_109, %mul3A_110 : i32
      %dma_start3A_112 = tpu.memref_slice %arg11[%mul3A_111] : memref<5120xi32, #tpu.memory_space<vmem>> -> memref<128xi32, #tpu.memory_space<vmem>>
      %dma_start3A_113 = arith.constant 0 : i32
      %dma_start3A_114 = arith.constant 0 : i32
      %dma_start3A_115 = tpu.memref_slice %arg2[%dma_start3A_113, %dma_start3A_114] : memref<10000x128xf32, #tpu.memory_space<hbm>> -> memref<10000x128xf32, #tpu.memory_space<hbm>>
      tpu.enqueue_indirect_dma source(%dma_start3A_115 : memref<10000x128xf32, #tpu.memory_space<hbm>>) target(%arg13 : memref<128x128xf32, #tpu.memory_space<vmem>>) offsets(%dma_start3A_112 : memref<128xi32, #tpu.memory_space<vmem>>) semaphore(%arg16 : memref<!tpu.dma_semaphore, #tpu.memory_space<semaphore_mem>>)
      %dma_wait3A_116 = arith.constant 0 : i32
      %dma_wait3A_117 = arith.constant 0 : i32
      %dma_wait3A_118 = tpu.memref_slice %arg2[%dma_wait3A_116, %dma_wait3A_117] : memref<10000x128xf32, #tpu.memory_space<hbm>> -> memref<128x128xf32, #tpu.memory_space<hbm>>
      %dma_wait3A_119 = arith.constant 0 : i32
      %dma_wait3A_120 = arith.constant 0 : i32
      %dma_wait3A_121 = tpu.memref_slice %arg2[%dma_wait3A_119, %dma_wait3A_120] : memref<10000x128xf32, #tpu.memory_space<hbm>> -> memref<128x128xf32, #tpu.memory_space<hbm>>
      tpu.wait_dma2 semaphore(%arg17 : memref<!tpu.dma_semaphore, #tpu.memory_space<semaphore_mem>>) src(%dma_wait3A_121 : memref<128x128xf32, #tpu.memory_space<hbm>>) dst(%arg14 : memref<128x128xf32, #tpu.memory_space<vmem>>)
      %add3A_122 = arith.constant 1 : i32
      %add3A_123 = arith.addi %mul3A_93, %add3A_122 : i32
      "tpu.region"() ({
        %run_scoped3A_124 = tpu.sem_alloc : memref<!tpu.dma_semaphore, #tpu.memory_space<semaphore_mem>>
        %dma_start3A_125 = arith.constant 0 : i32
        %dma_start3A_126 = tpu.memref_slice %arg12[%add3A_123, %dma_start3A_125] : memref<40x128xi32, #tpu.memory_space<vmem>> -> memref<1x128xi32, #tpu.memory_space<vmem>>
        %dma_start3A_127 = tpu.memref_squeeze %dma_start3A_126 : memref<1x128xi32, #tpu.memory_space<vmem>> -> memref<128xi32, #tpu.memory_space<vmem>>
        %dma_start3A_128 = arith.constant 0 : i32
        %dma_start3A_129 = arith.constant 0 : i32
        %dma_start3A_130 = tpu.memref_slice %arg9[%dma_start3A_128, %dma_start3A_129] : memref<10240x128xf32, #tpu.memory_space<vmem_shared>> -> memref<10240x128xf32, #tpu.memory_space<vmem_shared>>
        tpu.enqueue_indirect_dma source(%arg14 : memref<128x128xf32, #tpu.memory_space<vmem>>) target(%dma_start3A_130 : memref<10240x128xf32, #tpu.memory_space<vmem_shared>>) offsets(%dma_start3A_127 : memref<128xi32, #tpu.memory_space<vmem>>) semaphore(%run_scoped3A_124 : memref<!tpu.dma_semaphore, #tpu.memory_space<semaphore_mem>>) {add = true}
        %dma_wait3A_131 = arith.constant 0 : i32
        %dma_wait3A_132 = tpu.memref_slice %arg12[%add3A_123, %dma_wait3A_131] : memref<40x128xi32, #tpu.memory_space<vmem>> -> memref<1x128xi32, #tpu.memory_space<vmem>>
        %dma_wait3A_133 = tpu.memref_squeeze %dma_wait3A_132 : memref<1x128xi32, #tpu.memory_space<vmem>> -> memref<128xi32, #tpu.memory_space<vmem>>
        %dma_wait3A_134 = arith.constant 0 : i32
        %dma_wait3A_135 = arith.constant 0 : i32
        %dma_wait3A_136 = tpu.memref_slice %arg9[%dma_wait3A_134, %dma_wait3A_135] : memref<10240x128xf32, #tpu.memory_space<vmem_shared>> -> memref<10240x128xf32, #tpu.memory_space<vmem_shared>>
        tpu.wait_indirect_dma semaphore(%run_scoped3A_124 : memref<!tpu.dma_semaphore, #tpu.memory_space<semaphore_mem>>) src(%arg14 : memref<128x128xf32, #tpu.memory_space<vmem>>) dst(%dma_wait3A_136 : memref<10240x128xf32, #tpu.memory_space<vmem_shared>>)
        tpu.yield
      }) : () -> ()
      "tpu.region"() ({
        %run_scoped3A_124 = tpu.sem_alloc : memref<!tpu.dma_semaphore, #tpu.memory_space<semaphore_mem>>
        %dma_start3A_125 = arith.constant 0 : i32
        %dma_start3A_126 = tpu.memref_slice %arg12[%add3A_123, %dma_start3A_125] : memref<40x128xi32, #tpu.memory_space<vmem>> -> memref<1x128xi32, #tpu.memory_space<vmem>>
        %dma_start3A_127 = tpu.memref_squeeze %dma_start3A_126 : memref<1x128xi32, #tpu.memory_space<vmem>> -> memref<128xi32, #tpu.memory_space<vmem>>
        %dma_start3A_128 = arith.constant 0 : i32
        %dma_start3A_129 = tpu.memref_slice %arg10[%dma_start3A_128] : memref<10240xf32, #tpu.memory_space<vmem_shared>> -> memref<10240xf32, #tpu.memory_space<vmem_shared>>
        tpu.enqueue_indirect_dma source(%arg15 : memref<128xf32, #tpu.memory_space<vmem>>) target(%dma_start3A_129 : memref<10240xf32, #tpu.memory_space<vmem_shared>>) offsets(%dma_start3A_127 : memref<128xi32, #tpu.memory_space<vmem>>) semaphore(%run_scoped3A_124 : memref<!tpu.dma_semaphore, #tpu.memory_space<semaphore_mem>>) {add = true}
        %dma_wait3A_130 = arith.constant 0 : i32
        %dma_wait3A_131 = tpu.memref_slice %arg12[%add3A_123, %dma_wait3A_130] : memref<40x128xi32, #tpu.memory_space<vmem>> -> memref<1x128xi32, #tpu.memory_space<vmem>>
        %dma_wait3A_132 = tpu.memref_squeeze %dma_wait3A_131 : memref<1x128xi32, #tpu.memory_space<vmem>> -> memref<128xi32, #tpu.memory_space<vmem>>
        %dma_wait3A_133 = arith.constant 0 : i32
        %dma_wait3A_134 = tpu.memref_slice %arg10[%dma_wait3A_133] : memref<10240xf32, #tpu.memory_space<vmem_shared>> -> memref<10240xf32, #tpu.memory_space<vmem_shared>>
        tpu.wait_indirect_dma semaphore(%run_scoped3A_124 : memref<!tpu.dma_semaphore, #tpu.memory_space<semaphore_mem>>) src(%arg15 : memref<128xf32, #tpu.memory_space<vmem>>) dst(%dma_wait3A_134 : memref<10240xf32, #tpu.memory_space<vmem_shared>>)
        tpu.yield
      }) : () -> ()
    }
    %scan3A_65 = arith.constant 19 : i32
    %dma_start3A_66 = arith.constant 4992 : i32
    %dma_start3A_67 = tpu.memref_slice %arg11[%dma_start3A_66] : memref<5120xi32, #tpu.memory_space<vmem>> -> memref<128xi32, #tpu.memory_space<vmem>>
    %dma_start3A_68 = arith.constant 0 : i32
    %dma_start3A_69 = arith.constant 0 : i32
    %dma_start3A_70 = tpu.memref_slice %arg2[%dma_start3A_68, %dma_start3A_69] : memref<10000x128xf32, #tpu.memory_space<hbm>> -> memref<10000x128xf32, #tpu.memory_space<hbm>>
    tpu.enqueue_indirect_dma source(%dma_start3A_70 : memref<10000x128xf32, #tpu.memory_space<hbm>>) target(%arg14 : memref<128x128xf32, #tpu.memory_space<vmem>>) offsets(%dma_start3A_67 : memref<128xi32, #tpu.memory_space<vmem>>) semaphore(%arg17 : memref<!tpu.dma_semaphore, #tpu.memory_space<semaphore_mem>>)
    %dma_wait3A_71 = arith.constant 0 : i32
    %dma_wait3A_72 = arith.constant 0 : i32
    %dma_wait3A_73 = tpu.memref_slice %arg2[%dma_wait3A_71, %dma_wait3A_72] : memref<10000x128xf32, #tpu.memory_space<hbm>> -> memref<128x128xf32, #tpu.memory_space<hbm>>
    %dma_wait3A_74 = arith.constant 0 : i32
    %dma_wait3A_75 = arith.constant 0 : i32
    %dma_wait3A_76 = tpu.memref_slice %arg2[%dma_wait3A_74, %dma_wait3A_75] : memref<10000x128xf32, #tpu.memory_space<hbm>> -> memref<128x128xf32, #tpu.memory_space<hbm>>
    tpu.wait_dma2 semaphore(%arg16 : memref<!tpu.dma_semaphore, #tpu.memory_space<semaphore_mem>>) src(%dma_wait3A_76 : memref<128x128xf32, #tpu.memory_space<hbm>>) dst(%arg13 : memref<128x128xf32, #tpu.memory_space<vmem>>)
    %run_scoped3A_77 = arith.constant 38 : i32
    "tpu.region"() ({
      %run_scoped3A_91 = tpu.sem_alloc : memref<!tpu.dma_semaphore, #tpu.memory_space<semaphore_mem>>
      %dma_start3A_92 = arith.constant 0 : i32
      %dma_start3A_93 = tpu.memref_slice %arg12[%run_scoped3A_77, %dma_start3A_92] : memref<40x128xi32, #tpu.memory_space<vmem>> -> memref<1x128xi32, #tpu.memory_space<vmem>>
      %dma_start3A_94 = tpu.memref_squeeze %dma_start3A_93 : memref<1x128xi32, #tpu.memory_space<vmem>> -> memref<128xi32, #tpu.memory_space<vmem>>
      %dma_start3A_95 = arith.constant 0 : i32
      %dma_start3A_96 = arith.constant 0 : i32
      %dma_start3A_97 = tpu.memref_slice %arg9[%dma_start3A_95, %dma_start3A_96] : memref<10240x128xf32, #tpu.memory_space<vmem_shared>> -> memref<10240x128xf32, #tpu.memory_space<vmem_shared>>
      tpu.enqueue_indirect_dma source(%arg13 : memref<128x128xf32, #tpu.memory_space<vmem>>) target(%dma_start3A_97 : memref<10240x128xf32, #tpu.memory_space<vmem_shared>>) offsets(%dma_start3A_94 : memref<128xi32, #tpu.memory_space<vmem>>) semaphore(%run_scoped3A_91 : memref<!tpu.dma_semaphore, #tpu.memory_space<semaphore_mem>>) {add = true}
      %dma_wait3A_98 = arith.constant 0 : i32
      %dma_wait3A_99 = tpu.memref_slice %arg12[%run_scoped3A_77, %dma_wait3A_98] : memref<40x128xi32, #tpu.memory_space<vmem>> -> memref<1x128xi32, #tpu.memory_space<vmem>>
      %dma_wait3A_100 = tpu.memref_squeeze %dma_wait3A_99 : memref<1x128xi32, #tpu.memory_space<vmem>> -> memref<128xi32, #tpu.memory_space<vmem>>
      %dma_wait3A_101 = arith.constant 0 : i32
      %dma_wait3A_102 = arith.constant 0 : i32
      %dma_wait3A_103 = tpu.memref_slice %arg9[%dma_wait3A_101, %dma_wait3A_102] : memref<10240x128xf32, #tpu.memory_space<vmem_shared>> -> memref<10240x128xf32, #tpu.memory_space<vmem_shared>>
      tpu.wait_indirect_dma semaphore(%run_scoped3A_91 : memref<!tpu.dma_semaphore, #tpu.memory_space<semaphore_mem>>) src(%arg13 : memref<128x128xf32, #tpu.memory_space<vmem>>) dst(%dma_wait3A_103 : memref<10240x128xf32, #tpu.memory_space<vmem_shared>>)
      tpu.yield
    }) : () -> ()
    %run_scoped3A_78 = arith.constant 38 : i32
    "tpu.region"() ({
      %run_scoped3A_91 = tpu.sem_alloc : memref<!tpu.dma_semaphore, #tpu.memory_space<semaphore_mem>>
      %dma_start3A_92 = arith.constant 0 : i32
      %dma_start3A_93 = tpu.memref_slice %arg12[%run_scoped3A_78, %dma_start3A_92] : memref<40x128xi32, #tpu.memory_space<vmem>> -> memref<1x128xi32, #tpu.memory_space<vmem>>
      %dma_start3A_94 = tpu.memref_squeeze %dma_start3A_93 : memref<1x128xi32, #tpu.memory_space<vmem>> -> memref<128xi32, #tpu.memory_space<vmem>>
      %dma_start3A_95 = arith.constant 0 : i32
      %dma_start3A_96 = tpu.memref_slice %arg10[%dma_start3A_95] : memref<10240xf32, #tpu.memory_space<vmem_shared>> -> memref<10240xf32, #tpu.memory_space<vmem_shared>>
      tpu.enqueue_indirect_dma source(%arg15 : memref<128xf32, #tpu.memory_space<vmem>>) target(%dma_start3A_96 : memref<10240xf32, #tpu.memory_space<vmem_shared>>) offsets(%dma_start3A_94 : memref<128xi32, #tpu.memory_space<vmem>>) semaphore(%run_scoped3A_91 : memref<!tpu.dma_semaphore, #tpu.memory_space<semaphore_mem>>) {add = true}
      %dma_wait3A_97 = arith.constant 0 : i32
      %dma_wait3A_98 = tpu.memref_slice %arg12[%run_scoped3A_78, %dma_wait3A_97] : memref<40x128xi32, #tpu.memory_space<vmem>> -> memref<1x128xi32, #tpu.memory_space<vmem>>
      %dma_wait3A_99 = tpu.memref_squeeze %dma_wait3A_98 : memref<1x128xi32, #tpu.memory_space<vmem>> -> memref<128xi32, #tpu.memory_space<vmem>>
      %dma_wait3A_100 = arith.constant 0 : i32
      %dma_wait3A_101 = tpu.memref_slice %arg10[%dma_wait3A_100] : memref<10240xf32, #tpu.memory_space<vmem_shared>> -> memref<10240xf32, #tpu.memory_space<vmem_shared>>
      tpu.wait_indirect_dma semaphore(%run_scoped3A_91 : memref<!tpu.dma_semaphore, #tpu.memory_space<semaphore_mem>>) src(%arg15 : memref<128xf32, #tpu.memory_space<vmem>>) dst(%dma_wait3A_101 : memref<10240xf32, #tpu.memory_space<vmem_shared>>)
      tpu.yield
    }) : () -> ()
    %dma_wait3A_79 = arith.constant 0 : i32
    %dma_wait3A_80 = arith.constant 0 : i32
    %dma_wait3A_81 = tpu.memref_slice %arg2[%dma_wait3A_79, %dma_wait3A_80] : memref<10000x128xf32, #tpu.memory_space<hbm>> -> memref<128x128xf32, #tpu.memory_space<hbm>>
    %dma_wait3A_82 = arith.constant 0 : i32
    %dma_wait3A_83 = arith.constant 0 : i32
    %dma_wait3A_84 = tpu.memref_slice %arg2[%dma_wait3A_82, %dma_wait3A_83] : memref<10000x128xf32, #tpu.memory_space<hbm>> -> memref<128x128xf32, #tpu.memory_space<hbm>>
    tpu.wait_dma2 semaphore(%arg17 : memref<!tpu.dma_semaphore, #tpu.memory_space<semaphore_mem>>) src(%dma_wait3A_84 : memref<128x128xf32, #tpu.memory_space<hbm>>) dst(%arg14 : memref<128x128xf32, #tpu.memory_space<vmem>>)
    %run_scoped3A_85 = arith.constant 39 : i32
    "tpu.region"() ({
      %run_scoped3A_91 = tpu.sem_alloc : memref<!tpu.dma_semaphore, #tpu.memory_space<semaphore_mem>>
      %dma_start3A_92 = arith.constant 0 : i32
      %dma_start3A_93 = tpu.memref_slice %arg12[%run_scoped3A_85, %dma_start3A_92] : memref<40x128xi32, #tpu.memory_space<vmem>> -> memref<1x128xi32, #tpu.memory_space<vmem>>
      %dma_start3A_94 = tpu.memref_squeeze %dma_start3A_93 : memref<1x128xi32, #tpu.memory_space<vmem>> -> memref<128xi32, #tpu.memory_space<vmem>>
      %dma_start3A_95 = arith.constant 0 : i32
      %dma_start3A_96 = arith.constant 0 : i32
      %dma_start3A_97 = tpu.memref_slice %arg9[%dma_start3A_95, %dma_start3A_96] : memref<10240x128xf32, #tpu.memory_space<vmem_shared>> -> memref<10240x128xf32, #tpu.memory_space<vmem_shared>>
      tpu.enqueue_indirect_dma source(%arg14 : memref<128x128xf32, #tpu.memory_space<vmem>>) target(%dma_start3A_97 : memref<10240x128xf32, #tpu.memory_space<vmem_shared>>) offsets(%dma_start3A_94 : memref<128xi32, #tpu.memory_space<vmem>>) semaphore(%run_scoped3A_91 : memref<!tpu.dma_semaphore, #tpu.memory_space<semaphore_mem>>) {add = true}
      %dma_wait3A_98 = arith.constant 0 : i32
      %dma_wait3A_99 = tpu.memref_slice %arg12[%run_scoped3A_85, %dma_wait3A_98] : memref<40x128xi32, #tpu.memory_space<vmem>> -> memref<1x128xi32, #tpu.memory_space<vmem>>
      %dma_wait3A_100 = tpu.memref_squeeze %dma_wait3A_99 : memref<1x128xi32, #tpu.memory_space<vmem>> -> memref<128xi32, #tpu.memory_space<vmem>>
      %dma_wait3A_101 = arith.constant 0 : i32
      %dma_wait3A_102 = arith.constant 0 : i32
      %dma_wait3A_103 = tpu.memref_slice %arg9[%dma_wait3A_101, %dma_wait3A_102] : memref<10240x128xf32, #tpu.memory_space<vmem_shared>> -> memref<10240x128xf32, #tpu.memory_space<vmem_shared>>
      tpu.wait_indirect_dma semaphore(%run_scoped3A_91 : memref<!tpu.dma_semaphore, #tpu.memory_space<semaphore_mem>>) src(%arg14 : memref<128x128xf32, #tpu.memory_space<vmem>>) dst(%dma_wait3A_103 : memref<10240x128xf32, #tpu.memory_space<vmem_shared>>)
      tpu.yield
    }) : () -> ()
    %run_scoped3A_86 = arith.constant 39 : i32
    "tpu.region"() ({
      %run_scoped3A_91 = tpu.sem_alloc : memref<!tpu.dma_semaphore, #tpu.memory_space<semaphore_mem>>
      %dma_start3A_92 = arith.constant 0 : i32
      %dma_start3A_93 = tpu.memref_slice %arg12[%run_scoped3A_86, %dma_start3A_92] : memref<40x128xi32, #tpu.memory_space<vmem>> -> memref<1x128xi32, #tpu.memory_space<vmem>>
      %dma_start3A_94 = tpu.memref_squeeze %dma_start3A_93 : memref<1x128xi32, #tpu.memory_space<vmem>> -> memref<128xi32, #tpu.memory_space<vmem>>
      %dma_start3A_95 = arith.constant 0 : i32
      %dma_start3A_96 = tpu.memref_slice %arg10[%dma_start3A_95] : memref<10240xf32, #tpu.memory_space<vmem_shared>> -> memref<10240xf32, #tpu.memory_space<vmem_shared>>
      tpu.enqueue_indirect_dma source(%arg15 : memref<128xf32, #tpu.memory_space<vmem>>) target(%dma_start3A_96 : memref<10240xf32, #tpu.memory_space<vmem_shared>>) offsets(%dma_start3A_94 : memref<128xi32, #tpu.memory_space<vmem>>) semaphore(%run_scoped3A_91 : memref<!tpu.dma_semaphore, #tpu.memory_space<semaphore_mem>>) {add = true}
      %dma_wait3A_97 = arith.constant 0 : i32
      %dma_wait3A_98 = tpu.memref_slice %arg12[%run_scoped3A_86, %dma_wait3A_97] : memref<40x128xi32, #tpu.memory_space<vmem>> -> memref<1x128xi32, #tpu.memory_space<vmem>>
      %dma_wait3A_99 = tpu.memref_squeeze %dma_wait3A_98 : memref<1x128xi32, #tpu.memory_space<vmem>> -> memref<128xi32, #tpu.memory_space<vmem>>
      %dma_wait3A_100 = arith.constant 0 : i32
      %dma_wait3A_101 = tpu.memref_slice %arg10[%dma_wait3A_100] : memref<10240xf32, #tpu.memory_space<vmem_shared>> -> memref<10240xf32, #tpu.memory_space<vmem_shared>>
      tpu.wait_indirect_dma semaphore(%run_scoped3A_91 : memref<!tpu.dma_semaphore, #tpu.memory_space<semaphore_mem>>) src(%arg15 : memref<128xf32, #tpu.memory_space<vmem>>) dst(%dma_wait3A_101 : memref<10240xf32, #tpu.memory_space<vmem_shared>>)
      tpu.yield
    }) : () -> ()
    %barrier3A_87 = arith.constant 0 : index
    tpu.barrier barrier_id(%barrier3A_87)
    %mul3A_88 = arith.constant 10240 : i32
    %mul3A_89 = arith.muli %arg0, %mul3A_88 : i32
    %add3A_90 = arith.addi %mul3A_89, %mul3A_2 : i32
    "tpu.region"() ({
      %run_scoped3A_91 = tpu.sem_alloc : memref<!tpu.dma_semaphore, #tpu.memory_space<semaphore_mem>>
      %dma_start3A_92 = arith.constant 0 : i32
      %dma_start3A_93 = tpu.memref_slice %arg7[%add3A_90, %dma_start3A_92] : memref<20480x128xf32, #tpu.memory_space<hbm>> -> memref<640x128xf32, #tpu.memory_space<hbm>>
      %dma_start3A_94 = arith.constant 0 : i32
      %dma_start3A_95 = tpu.memref_slice %arg9[%mul3A_2, %dma_start3A_94] : memref<10240x128xf32, #tpu.memory_space<vmem_shared>> -> memref<640x128xf32, #tpu.memory_space<vmem_shared>>
      tpu.enqueue_dma source(%dma_start3A_95 : memref<640x128xf32, #tpu.memory_space<vmem_shared>>) target(%dma_start3A_93 : memref<640x128xf32, #tpu.memory_space<hbm>>) target_semaphore(%run_scoped3A_91 : memref<!tpu.dma_semaphore, #tpu.memory_space<semaphore_mem>>)
      %dma_wait3A_96 = arith.constant 0 : i32
      %dma_wait3A_97 = tpu.memref_slice %arg7[%add3A_90, %dma_wait3A_96] : memref<20480x128xf32, #tpu.memory_space<hbm>> -> memref<640x128xf32, #tpu.memory_space<hbm>>
      %dma_wait3A_98 = arith.constant 0 : i32
      %dma_wait3A_99 = tpu.memref_slice %arg9[%mul3A_2, %dma_wait3A_98] : memref<10240x128xf32, #tpu.memory_space<vmem_shared>> -> memref<640x128xf32, #tpu.memory_space<vmem_shared>>
      tpu.wait_dma2 semaphore(%run_scoped3A_91 : memref<!tpu.dma_semaphore, #tpu.memory_space<semaphore_mem>>) src(%dma_wait3A_99 : memref<640x128xf32, #tpu.memory_space<vmem_shared>>) dst(%dma_wait3A_97 : memref<640x128xf32, #tpu.memory_space<hbm>>)
      tpu.yield
    }) : () -> ()
    "tpu.region"() ({
      %run_scoped3A_91 = tpu.sem_alloc : memref<!tpu.dma_semaphore, #tpu.memory_space<semaphore_mem>>
      %dma_start3A_92 = tpu.memref_slice %arg8[%add3A_90] : memref<20480xf32, #tpu.memory_space<hbm>> -> memref<640xf32, #tpu.memory_space<hbm>>
      %dma_start3A_93 = tpu.memref_slice %arg10[%mul3A_2] : memref<10240xf32, #tpu.memory_space<vmem_shared>> -> memref<640xf32, #tpu.memory_space<vmem_shared>>
      tpu.enqueue_dma source(%dma_start3A_93 : memref<640xf32, #tpu.memory_space<vmem_shared>>) target(%dma_start3A_92 : memref<640xf32, #tpu.memory_space<hbm>>) target_semaphore(%run_scoped3A_91 : memref<!tpu.dma_semaphore, #tpu.memory_space<semaphore_mem>>)
      %dma_wait3A_94 = tpu.memref_slice %arg8[%add3A_90] : memref<20480xf32, #tpu.memory_space<hbm>> -> memref<640xf32, #tpu.memory_space<hbm>>
      %dma_wait3A_95 = tpu.memref_slice %arg10[%mul3A_2] : memref<10240xf32, #tpu.memory_space<vmem_shared>> -> memref<640xf32, #tpu.memory_space<vmem_shared>>
      tpu.wait_dma2 semaphore(%run_scoped3A_91 : memref<!tpu.dma_semaphore, #tpu.memory_space<semaphore_mem>>) src(%dma_wait3A_95 : memref<640xf32, #tpu.memory_space<vmem_shared>>) dst(%dma_wait3A_94 : memref<640xf32, #tpu.memory_space<hbm>>)
      tpu.yield
    }) : () -> ()
    return
  }
}

module attributes {stable_mosaic.version = 14 : i64} {
  func.func @_tc_body(%arg0: i32, %arg1: memref<2x2048x128xf32, #tpu.memory_space<vmem>>, %arg2: memref<2x2048x1xf32, #tpu.memory_space<vmem>>, %arg3: memref<128x128xf32, #tpu.memory_space<vmem>>, %arg4: memref<1x128xf32, #tpu.memory_space<vmem>>, %arg5: memref<2048x128xf32, #tpu.memory_space<vmem>>) attributes {dimension_semantics = [#tpu.dimension_semantics<arbitrary>], iteration_bounds = array<i64: 5>, scalar_prefetch = 0 : i64, scratch_operands = 0 : i64, tpu.core_type = #tpu.core_type<tc>, window_params = [{transform_indices = @transform_0, window_bounds = array<i64: 2, 2048, 128>}, {transform_indices = @transform_1, window_bounds = array<i64: 2, 2048, 1>}, {pipeline_mode = #tpu.pipeline_mode<synchronous>, transform_indices = @transform_2, window_bounds = array<i64: 128, 128>}, {pipeline_mode = #tpu.pipeline_mode<synchronous>, transform_indices = @transform_3, window_bounds = array<i64: 1, 128>}, {transform_indices = @transform_4, window_bounds = array<i64: 2048, 128>}]} {
    %get3A = arith.constant 0 : index
    %get3A_0 = arith.constant 0 : index
    %get3A_1 = arith.constant 0 : index
    %get3A_2 = vector.load %arg1[%get3A, %get3A_0, %get3A_1] : memref<2x2048x128xf32, #tpu.memory_space<vmem>>, vector<1x2048x128xf32>
    %get3A_3 = vector.shape_cast %get3A_2 : vector<1x2048x128xf32> to vector<2048x128xf32>
    %get3A_4 = arith.constant 1 : index
    %get3A_5 = arith.constant 0 : index
    %get3A_6 = arith.constant 0 : index
    %get3A_7 = vector.load %arg1[%get3A_4, %get3A_5, %get3A_6] : memref<2x2048x128xf32, #tpu.memory_space<vmem>>, vector<1x2048x128xf32>
    %get3A_8 = vector.shape_cast %get3A_7 : vector<1x2048x128xf32> to vector<2048x128xf32>
    %add3A = arith.addf %get3A_3, %get3A_8 : vector<2048x128xf32>
    %get3A_9 = arith.constant 0 : index
    %get3A_10 = arith.constant 0 : index
    %get3A_11 = arith.constant 0 : index
    %get3A_12 = vector.load %arg2[%get3A_9, %get3A_10, %get3A_11] : memref<2x2048x1xf32, #tpu.memory_space<vmem>>, vector<1x2048x1xf32>
    %get3A_13 = vector.shape_cast %get3A_12 : vector<1x2048x1xf32> to vector<2048x1xf32>
    %get3A_14 = arith.constant 1 : index
    %get3A_15 = arith.constant 0 : index
    %get3A_16 = arith.constant 0 : index
    %get3A_17 = vector.load %arg2[%get3A_14, %get3A_15, %get3A_16] : memref<2x2048x1xf32, #tpu.memory_space<vmem>>, vector<1x2048x1xf32>
    %get3A_18 = vector.shape_cast %get3A_17 : vector<1x2048x1xf32> to vector<2048x1xf32>
    %add3A_19 = arith.addf %get3A_13, %get3A_18 : vector<2048x1xf32>
    %max3A = arith.constant 1.000000e+00 : f32
    %max3A_20 = vector.broadcast %max3A : f32 to vector<2048x1xf32>
    %max3A_21 = arith.maximumf %add3A_19, %max3A_20 : vector<2048x1xf32>
    %div3A = vector.broadcast %max3A_21 : vector<2048x1xf32> to vector<2048x128xf32>
    %div3A_22 = arith.divf %add3A, %div3A : vector<2048x128xf32>
    %get3A_23 = arith.constant 0 : index
    %get3A_24 = arith.constant 0 : index
    %get3A_25 = vector.load %arg3[%get3A_23, %get3A_24] : memref<128x128xf32, #tpu.memory_space<vmem>>, vector<128x128xf32>
    %dot_general3A = arith.constant dense<0.000000e+00> : vector<2048x128xf32>
    %dot_general3A_26 = tpu.matmul %div3A_22, %get3A_25, %dot_general3A {dimension_numbers = #tpu.dot_dimension_numbers<[1], [0], [0], [1], [0, 0, 1, 1], [], []>, transpose_lhs_hint = false} : vector<2048x128xf32>, vector<128x128xf32>, vector<2048x128xf32> -> vector<2048x128xf32>
    %get3A_27 = arith.constant 0 : index
    %get3A_28 = arith.constant 0 : index
    %get3A_29 = vector.load %arg4[%get3A_27, %get3A_28] : memref<1x128xf32, #tpu.memory_space<vmem>>, vector<1x128xf32>
    %add3A_30 = vector.broadcast %get3A_29 : vector<1x128xf32> to vector<2048x128xf32>
    %add3A_31 = arith.addf %dot_general3A_26, %add3A_30 : vector<2048x128xf32>
    %swap3A = arith.constant 0 : index
    %swap3A_32 = arith.constant 0 : index
    %swap3A_33 = vector.load %arg5[%swap3A, %swap3A_32] : memref<2048x128xf32, #tpu.memory_space<vmem>>, vector<2048x128xf32>
    tpu.vector_store %arg5[%swap3A, %swap3A_32], %add3A_31 {strides = array<i32>} : memref<2048x128xf32, #tpu.memory_space<vmem>>, vector<2048x128xf32>,
    return
  }
  func.func @transform_0(%arg0: i32) -> (i32, i32, i32) {
    %c0_i32 = arith.constant 0 : i32
    %c0_i32_0 = arith.constant 0 : i32
    %c0_i32_1 = arith.constant 0 : i32
    return %c0_i32, %arg0, %c0_i32_0 : i32, i32, i32
  }
  func.func @transform_1(%arg0: i32) -> (i32, i32, i32) {
    %c0_i32 = arith.constant 0 : i32
    %c0_i32_0 = arith.constant 0 : i32
    %c0_i32_1 = arith.constant 0 : i32
    return %c0_i32, %arg0, %c0_i32_0 : i32, i32, i32
  }
  func.func @transform_2(%arg0: i32) -> (i32, i32) {
    %c0_i32 = arith.constant 0 : i32
    %c0_i32_0 = arith.constant 0 : i32
    %c0_i32_1 = arith.constant 0 : i32
    return %c0_i32, %c0_i32_0 : i32, i32
  }
  func.func @transform_3(%arg0: i32) -> (i32, i32) {
    %c0_i32 = arith.constant 0 : i32
    %c0_i32_0 = arith.constant 0 : i32
    %c0_i32_1 = arith.constant 0 : i32
    return %c0_i32, %c0_i32_0 : i32, i32
  }
  func.func @transform_4(%arg0: i32) -> (i32, i32) {
    %c0_i32 = arith.constant 0 : i32
    %c0_i32_0 = arith.constant 0 : i32
    return %arg0, %c0_i32 : i32, i32
  }
}

</mosaic_0001>

<sc_bundles>
// kernel: kernel.4.cloned.1.call-start
scs
__scs_entry_jumppad:
0x0: {  	(pc) =	sbr.rel $0x88, $3  }
0x1: {  	(tag) =	ssettag $0x0;
	lr =	simm.s32 $0x1  }
0x2: {  	[smem:$0x3F9D] =	sst lr;
	_ =	strace $0xD0000000  }
0x3: {  	_ = 	snop  }
0x4: {  	_ = 	snop  }
0x5: {  	_ = 	snop  }
0x6: {  	_ = 	snop  }
0x7: {  	_ = 	snop  }
__scs_overlays_trampoline_lowered:
0x8: {  	[smem:$0x3FAC] =	sst s0  }
0x9: {  	[smem:$0x3FAD] =	sst s1  }
0xa: {  	[smem:$0x3FAE] =	sst s2  }
0xb: {  	[smem:$0x3FAF] =	sst s3  }
0xc: {  	[smem:$0x3FB0] =	sst s4  }
0xd: {  	[smem:$0x3FB1] =	sst s5  }
0xe: {  	[smem:$0x3FB2] =	sst s6  }
0xf: {  	[smem:$0x3FB3] =	sst s7  }
0x10: {  	[smem:$0x3FB4] =	sst s8  }
0x11: {  	[smem:$0x3FB5] =	sst s9;
	s0 =	simm.s32 @!p0 $0x0  }
0x12: {  	s1 =	sld [smem:$0x3F9B];
	s0 =	simm.s32 @p0 $0x1  }
0x13: {  	[smem:$0x3FB6] =	sst s0;
	s0 =	simm.s32 @!p1 $0x0  }
0x14: {  	s2 =	sld [smem:$0x3F9A];
	s0 =	simm.s32 @p1 $0x1  }
0x15: {  	[smem:$0x3FB7] =	sst s0;
	s0 =	simm.s32 @!p2 $0x0  }
0x16: {  	s3 =	sld [smem:$0x3FDB];
	s0 =	simm.s32 @p2 $0x1  }
0x17: {  	s4 =	simm.s32 $0x1BF5;
	[smem:$0x3FB9] =	sst s0  }
0x18: {  	s0 =	sld [smem:$0x3F9C];
	_ =	swait.ge [sflag:s4], $0x0  }
0x19: {  	s7 =	sld [smem:$0x3F9D]  }
0x1a: {  	s8 =	sadd.s32 $0xFFFFE003, lr  }
0x1b: {  	s9 =	sadd.s32 $0xFFFFFEF7, lr;
	s5 =	simm.s32 $0xFFFFFFFF;
	p2 =	slt.u32 s8, $0xFFFFF086  }
0x1c: {  	p1 =	slt.u32 s9, $0xF7A;
	s5 =	simm.s32 @!p2 $0x0  }
0x1d: {  	s5 =	simm.s32 @p1 $0x1;
	p0 =	seq.s32 s7, s2  }
0x1e: {  	s7 =	smul.u32 @!p0 $0xF7A, s2;
	p2 =	seq.s32 @!p0 s5, $0x0  }
0x1f: {  	s9 =	smul.u32 $0xF7A, s1;
	s8 =	simm.s32 @!p0 $0x1BF5;
	p2 =	por !p2, p0  }
0x20: {  	[sflag:s8] =	ssyncset.s32 @!p0 $0xFFFFF086;
	s6 =	sadd.s32 @!p0 s3, s7;
	s7 =	simm.s32 @!p0 $0x108  }
0x21: {  	s3 =	sadd.s32 s3, s9;
	s6 =	sadd.s32 @!p0 $0x88, s6;
	s7 =	simm.s32 @p2 $0x1082  }
0x22: {  	[simem:s7], [sflag:s8] =	dma.local @!p0 [hbm:s6], $0xF7A  }
0x23: {  	s9 =	sor.u32 $0xD0000000, s2;
	s6 =	simm.s32 $0x108;
	_ =	swait.ge @!p0 [sflag:s8], $0x0  }
0x24: {  	s3 =	sadd.s32 $0x88, s3;
	s6 =	simm.s32 @!p1 $0x1082;
	[sflag:s4] =	ssyncset.s32 $0xFFFFF086  }
0x25: {  	[simem:s6], [sflag:s4] =	dma.local [hbm:s3], $0xF7A  }
0x26: {  	[smem:$0x3F9D] =	sst s1;
	(tag) =	ssettag s2;
	_ =	strace s9  }
0x27: {  	s1 =	sld [smem:$0x3FAD]  }
0x28: {  	s2 =	sld [smem:$0x3FAE]  }
0x29: {  	s4 =	sld [smem:$0x3FB0]  }
0x2a: {  	p0 =	seq.s32 s5, $0x0;
	s5 =	sld [smem:$0x3FB1]  }
0x2b: {  	s6 =	sld [smem:$0x3FB2]  }
0x2c: {  	s7 =	sld [smem:$0x3FB3]  }
0x2d: {  	s3 =	simm.s32 $0x108;
	s8 =	sld [smem:$0x3FB4]  }
0x2e: {  	s3 =	simm.s32 @!p0 $0x1082;
	s9 =	sld [smem:$0x3FB5]  }
0x2f: {  	lr =	sadd.s32 s0, s3;
	s0 =	sld [smem:$0x3FAC]  }
0x30: {  	s3 =	sld [smem:$0x3FAF]  }
0x31: {  	[smem:$0x3FB8] =	sst s10  }
0x32: {  	s10 =	sld [smem:$0x3FB6];
	_ =	sdelay $0x3  }
0x33: {  	p0 =	seq.s32 s10, $0x1;
	s10 =	sld [smem:$0x3FB8];
	_ =	sdelay $0x3  }
0x34: {  	[smem:$0x3FB8] =	sst s10  }
0x35: {  	s10 =	sld [smem:$0x3FB7];
	_ =	sdelay $0x3  }
0x36: {  	p1 =	seq.s32 s10, $0x1;
	s10 =	sld [smem:$0x3FB8];
	_ =	sdelay $0x3  }
0x37: {  	[smem:$0x3FB8] =	sst s10  }
0x38: {  	s10 =	sld [smem:$0x3FB9]  }
0x39: {  	_ = 	snop;
	(pc) =	sbr.ind lr, $3  }
0x3a: {  	_ = 	snop  }
0x3b: {  	_ = 	snop  }
0x3c: {  	p2 =	seq.s32 s10, $0x1;
	s10 =	sld [smem:$0x3FB8]  }
0x3d: {  	_ =	shalt  }
0x3e: {  	_ =	shalt  }
0x3f: {  	_ =	shalt  }
0x40: {  	_ =	shalt  }
0x41: {  	_ =	shalt  }
0x42: {  	_ =	shalt  }
0x43: {  	_ =	shalt  }
0x44: {  	_ =	shalt  }
0x45: {  	_ =	shalt  }
0x46: {  	_ =	shalt  }
0x47: {  	_ =	shalt  }
0x48: {  	_ =	shalt  }
0x49: {  	_ =	shalt  }
0x4a: {  	_ =	shalt  }
0x4b: {  	_ =	shalt  }
0x4c: {  	_ =	shalt  }
0x4d: {  	_ =	shalt  }
0x4e: {  	_ =	shalt  }
0x4f: {  	_ =	shalt  }
0x50: {  	_ =	shalt  }
0x51: {  	_ =	shalt  }
0x52: {  	_ =	shalt  }
0x53: {  	_ =	shalt  }
0x54: {  	_ =	shalt  }
0x55: {  	_ =	shalt  }
0x56: {  	_ =	shalt  }
0x57: {  	_ =	shalt  }
0x58: {  	_ =	shalt  }
0x59: {  	_ =	shalt  }
0x5a: {  	_ =	shalt  }
0x5b: {  	_ =	shalt  }
0x5c: {  	_ =	shalt  }
0x5d: {  	_ =	shalt  }
0x5e: {  	_ =	shalt  }
0x5f: {  	_ =	shalt  }
0x60: {  	_ =	shalt  }
0x61: {  	_ =	shalt  }
0x62: {  	_ =	shalt  }
0x63: {  	_ =	shalt  }
0x64: {  	_ =	shalt  }
0x65: {  	_ =	shalt  }
0x66: {  	_ =	shalt  }
0x67: {  	_ =	shalt  }
0x68: {  	_ =	shalt  }
0x69: {  	_ =	shalt  }
0x6a: {  	_ =	shalt  }
0x6b: {  	_ =	shalt  }
0x6c: {  	_ =	shalt  }
0x6d: {  	_ =	shalt  }
0x6e: {  	_ =	shalt  }
0x6f: {  	_ =	shalt  }
0x70: {  	_ =	shalt  }
0x71: {  	_ =	shalt  }
0x72: {  	_ =	shalt  }
0x73: {  	_ =	shalt  }
0x74: {  	_ =	shalt  }
0x75: {  	_ =	shalt  }
0x76: {  	_ =	shalt  }
0x77: {  	_ =	shalt  }
0x78: {  	_ =	shalt  }
0x79: {  	_ =	shalt  }
0x7a: {  	_ =	shalt  }
0x7b: {  	_ =	shalt  }
0x7c: {  	_ =	shalt  }
0x7d: {  	_ =	shalt  }
0x7e: {  	_ =	shalt  }
0x7f: {  	_ =	shalt  }
0x80: {  	_ =	shalt  }
0x81: {  	_ =	shalt  }
0x82: {  	_ =	shalt  }
0x83: {  	_ =	shalt  }
0x84: {  	_ =	shalt  }
0x85: {  	_ =	shalt  }
0x86: {  	_ =	shalt  }
0x87: {  	_ =	shalt  }
.Lfunc_end0:
.L_simem_size_0:
called_computation_lowered:
.L_overlay_start_0:
0x88: {  	s2 =	sld [smem:$0x3FD9]  }
0x89: {  	s3 =	sld [smem:$0x3FFE];
	_ =	sdelay $0x1  }
0x8a: {  	s1 =	srdreg.scid  }
0x8b: {  	s0 =	sand.u32 $0x1, s1  }
0x8c: {  	s17 =	sshll.u32 s0, $0xA;
	s2 =	sadd.s32 s3, s2  }
0x8d: {  	s2 =	sadd.s32 s2, s17  }
0x8e: {  	[smem:$0x3FC4] =	sst s2  }
0x8f: {  	_ = 	snop  }
0x90: {  	s2 =	sld [smem:$0x3FC9]  }
0x91: {  	s18 =	sld [smem:$0x3FD0];
	(tm) =	ssettm $0x1  }
0x92: {  	s4 =	sld [smem:$0x3FFB];
	_ =	sdelay $0x3  }
0x93: {  	_ =	strace s4  }
0x94: {  	s4 =	sld [smem:$0x3FFC];
	_ =	sdelay $0x3  }
0x95: {  	_ =	strace s4  }
0x96: {  	s4 =	sld [smem:$0x3FFD];
	_ =	sdelay $0x3  }
0x97: {  	_ =	strace s4  }
0x98: {  	_ =	strace $0x8FFFFFFF  }
0x99: {  	s19 =	sld [smem:$0x3FDB];
	_ =	sdelay $0x1  }
0x9a: {  	s5 =	simm.s32 $_scs_section_size  }
0x9b: {  	s6 =	simm.s32 $_size__tile_overlayer_lowered;
	s7 =	simm.s32 $_tile_overlayer_lowered  }
0x9c: {  	s22 =	simm.s32 $0x1BFF;
	s21 =	sshll.u32 s7, $0x1;
	s4 =	sadd.s32 s5, s19  }
0x9d: {  	s8 =	simm.s32 $0x0;
	s20 =	sshll.u32 s6, $0x1;
	s6 =	sadd.s32 s21, s4  }
0x9e: {  	[timem:s8], [sflag:s22] =	dma.local [hbm:s6], s20  }
0x9f: {  	_ =	swait.ge [sflag:s22], s20  }
0xa0: {  	s5 =	ssub.s32 $0x0, s20;
	[sflag:s22] =	ssyncset.done $0x0  }
0xa1: {  	[sflag:s22] =	ssyncadd.s32 s5;
	_ =	sdelay $0x1  }
0xa2: {  	s23 =	simm.s32 $0x1B8B  }
0xa3: {  	_ =	swait.ge [sflag:s23], $0x1  }
0xa4: {  	[sflag:s23] =	ssyncset.done $0x0  }
0xa5: {  	s25 =	simm.s32 $0x1B8E;
	s24 =	sld [smem:$0x3FFE];
	[sflag:s23] =	ssyncadd.s32 $0xFFFFFFFF  }
0xa6: {  	s26 =	simm.s32 $execute0_lowered;
	[smem:$0x3FD2] =	sst s25  }
0xa7: {  	s6 =	sshll.u32 s26, $0x1;
	_ =	strace $0x80000046;
	[dreg:$0x1] =	wrdreg $0xFFFFFFFF  }
0xa8: {  	s28 =	simm.s32 $_size_execute0_lowered;
	s4 =	sadd.s32 s4, s6;
	[dreg:$0x0] =	wrdreg $0x0  }
0xa9: {  	s6 =	sshll.u32 s28, $0x1;
	[dreg:$0x2] =	wrdreg s4  }
0xaa: {  	[dreg:$0x3] =	wrdreg s6  }
0xab: {  	[dreg:$0x4] =	wrdreg $0xC0  }
0xac: {  	_ =	task [dreg:s8], $0x5FFFF  }
0xad: {  	[dreg:$0x1] =	wrdreg $0xFFFFFFFF  }
0xae: {  	[dreg:$0x0] =	wrdreg $0x60  }
0xaf: {  	[dreg:$0x2] =	wrdreg s2  }
0xb0: {  	[dreg:$0x3] =	wrdreg s24  }
0xb1: {  	[dreg:$0x4] =	wrdreg s18  }
0xb2: {  	[dreg:$0x5] =	wrdreg $0x0  }
0xb3: {  	[dreg:$0x6] =	wrdreg $0x140000  }
0xb4: {  	[dreg:$0x7] =	wrdreg $0x9  }
0xb5: {  	_ =	task.clear_ibuf [dreg:s8], $0x8FFFF;
	_ =	strace $0x90000046  }
0xb6: {  	s29 =	simm.s32 $0x9;
	_ =	strace $0x80000048  }
0xb7: {  	_ =	swait.ge [sflag:s29], $0x1  }
0xb8: {  	[sflag:s29] =	ssyncadd.s32 $0xFFFFFFFF  }
0xb9: {  	_ =	strace $0x90000048  }
0xba: {  	_ =	sfence  }
0xbb: {  	s30 =	sld [smem:$0x0];
	_ =	sdelay $0x2  }
0xbc: {  	s31 =	sshll.u32 s1, $0xD;
	s1 =	sshrl.u32 s1, $0x2  }
0xbd: {  	s3 =	sand.u32 $0x4000, s31;
	s1 =	sadd.s32 s1, s30  }
0xbe: {  	s0 =	sor.u32 s3, s0;
	s1 =	sshll.u32 s1, $0x11  }
0xbf: {  	s0 =	sor.u32 s1, s0  }
0xc0: {  	s0 =	sadd.s32 $0x8F2B, s0  }
0xc1: {  	[sflag:s0] =	ssyncadd.remote.s32 $0x1  }
0xc2: {  	_ =	sfence.sel $0xFFFF  }
0xc3: {  	[dreg:$0x0] =	wrdreg $0xFFFFFFFF;
	(pc) =	sbr.abs _section_cstart, $3  }
0xc4: {  	[dreg:$0x1] =	wrdreg $0xFFFFFFFF  }
0xc5: {  	_ =	task.clear_ibuf [dreg:s8], $0x2FFFF;
	_ =	strace $0x9FFFFFFF  }
0xc6: {  	(tm) =	ssettm $0x7FFFFFFF  }
0xc7: {  	_ =	shalt  }
tec
execute0_lowered:
.L_overlay_start_1:
0x0: {  	(tag) =	ssettag $0x1  }
0x1: {  	s1 =	rddreg [dreg:$0x0]  }
0x2: {  	s0 =	rddreg [dreg:$0x1]  }
0x3: {  	s2 =	rddreg [dreg:$0x2]  }
0x4: {  	s3 =	rddreg [dreg:$0x3]  }
0x5: {  	s4 =	rddreg [dreg:$0x4]  }
0x6: {  	s6 =	srdreg.scid;
	s15 =	stileid.u32;
	s5 =	simm.s32 $0x0  }
0x7: {  	s28 =	simm.s32 $0x1EA80;
	s29 =	simm.s32 $0x80;
	s30 =	simm.s32 $0x400  }
0x8: {  	s31 =	simm.s32 $0x14280;
	s6 =	sand.u32 $0x1, s6;
	s7 =	smul.u32 $0x280, s15  }
0x9: {  	[smem:$0x7FF] =	sst s5;
	s9 =	sadd.s32 $0xA00, s0;
	s10 =	smul.u32 $0x50000, s15  }
0xa: {  	s11 =	sadd.s32 $0xAC00, s0;
	s13 =	sadd.s32 $0xAA00, s0;
	s18 =	sshll.u32 s15, $0x2  }
0xb: {  	s20 =	sshrl.u32 s15, $0x1;
	s8 =	smul.u32 $0x2800, s6;
	_ =	strace $0x80000047  }
0xc: {  	[dreg:$0x6] =	wrdreg s11;
	s12 =	ssub.s32 $0x2, s6;
	s6 =	sshll.u32 s6, $0x1  }
0xd: {  	[dreg:$0x7] =	wrdreg s13;
	s10 =	sshrl.u32 s10, $0x2;
	s6 =	sor.u32 s6, s18  }
0xe: {  	s8 =	sadd.s32 s7, s8;
	s21 =	sshll.u32 s6, $0x7;
	s22 =	sor.u32 $0x1, s6  }
0xf: {  	s6 =	smul.u32 $0x280, s6;
	s7 =	sadd.s32 s7, s4;
	s14 =	sshll.u32 s8, $0x4  }
0x10: {  	s13 =	sshrl.u32 s8, $0x3;
	s8 =	sadd.s32 s10, s3;
	s23 =	sshll.u32 s22, $0x7  }
0x11: {  	s26 =	smul.u32 $0x280, s22;
	[dreg:$0x11] =	wrdreg s7;
	s7 =	simm.s32 $0x2  }
0x12: {  	s11 =	sadd.s32 s14, s0;
	s14 =	sshrl.u32 s12, $0x1;
	s10 =	sadd.s32 s13, s0  }
0x13: {  	s16 =	sadd.s32 $0x2800, s8;
	s17 =	sadd.s32 $0x5000, s8;
	s19 =	sadd.s32 $0x7800, s8  }
0x14: {  	s13 =	smul.u32 $0xA000, s20;
	s24 =	sadd.s32 $0xF000, s8;
	[dreg:$0x8] =	wrdreg s16  }
0x15: {  	s25 =	sadd.s32 $0x11800, s8;
	s0 =	sadd.s32 $0xAA50, s0;
	[dreg:$0x9] =	wrdreg s17  }
0x16: {  	s20 =	sadd.s32 s2, s6;
	s6 =	simm.s32 $0x1;
	[dreg:$0xa] =	wrdreg s19  }
0x17: {  	s12 =	ssub.s32 s12, s14;
	s16 =	sadd.s32 $0xA000, s8;
	[dreg:$0xd] =	wrdreg s24  }
0x18: {  	s14 =	sand.u32 $0x300, s21;
	s17 =	sadd.s32 $0xC800, s8;
	[dreg:$0x10] =	wrdreg s25  }
0x19: {  	[dreg:$0x12] =	wrdreg s0;
	s21 =	sadd.s32 s2, s26;
	s22 =	sadd.s32 $0xBE00, s11  }
0x1a: {  	s25 =	simm.s32 $0x16A80;
	s26 =	simm.s32 $0x3;
	s0 =	simm.s32 $0x15680  }
0x1b: {  	s2 =	simm.s32 $0x1AA80;
	s11 =	simm.s32 $0x16A00;
	[dreg:$0xb] =	wrdreg s16  }
0x1c: {  	[dreg:$0xc] =	wrdreg s17;
	s14 =	sor.u32 s13, s14;
	s16 =	sand.u32 $0x380, s23  }
0x1d: {  	s23 =	sadd.s32 $0xB400, s10;
	s13 =	sor.u32 s13, s16;
	s14 =	sshrl.u32 s14, $0x3  }
0x1e: {  	s24 =	smax.u32 s12, $0x1;
	s14 =	sadd.s32 s9, s14;
	s13 =	sshrl.u32 s13, $0x3  }
0x1f: {  	s10 =	simm.s32 $0x16980;
	[dreg:$0xe] =	wrdreg s14;
	s9 =	sadd.s32 s9, s13  }
0x20: {  	s12 =	simm.s32 $0x0;
	[dreg:$0xf] =	wrdreg s9;
	s9 =	simm.s32 $0x15600  }
.LBB2_1:
0x21: {  	s13 =	rddreg [dreg:$0x6]  }
0x22: {  	[tilespmem:s25], [sflag:$0x3] =	stream.linear.gather [hbm4b:s13+s5], $0x4000, $0x38;
	[tilespmem:$0x1EB00] =	vst v63  }
0x23: {  	_ =	swait.ge [sflag:s26], $0x4000  }
0x24: {  	[sflag:s26] =	ssyncset.done $0x0  }
0x25: {  	[sflag:s26] =	ssyncadd.s32 $0xFFFFC000  }
0x26: {  	[spmem:s8] =	stream.linear.scatter [tilespmem:s25], [sflag:$0x3], $0x2800, $0x38;
	[tilespmem:$0x1EB00] =	vst v63  }
0x27: {  	_ =	swait.ge [sflag:s26], $0x2800  }
0x28: {  	[sflag:s26] =	ssyncset.done $0x0  }
0x29: {  	s16 =	rddreg [dreg:$0x8];
	[sflag:s26] =	ssyncadd.s32 $0xFFFFD800  }
0x2a: {  	[spmem:s16] =	stream.linear.scatter [tilespmem:s25], [sflag:$0x3], $0x2800, $0x38;
	[tilespmem:$0x1EB00] =	vst v63  }
0x2b: {  	_ =	swait.ge [sflag:s26], $0x2800  }
0x2c: {  	[sflag:s26] =	ssyncset.done $0x0  }
0x2d: {  	s17 =	rddreg [dreg:$0x9];
	[sflag:s26] =	ssyncadd.s32 $0xFFFFD800  }
0x2e: {  	[spmem:s17] =	stream.linear.scatter [tilespmem:s25], [sflag:$0x3], $0x2800, $0x38;
	[tilespmem:$0x1EB00] =	vst v63  }
0x2f: {  	_ =	swait.ge [sflag:s26], $0x2800  }
0x30: {  	[sflag:s26] =	ssyncset.done $0x0  }
0x31: {  	s18 =	rddreg [dreg:$0xa];
	[sflag:s26] =	ssyncadd.s32 $0xFFFFD800  }
0x32: {  	[spmem:s18] =	stream.linear.scatter [tilespmem:s25], [sflag:$0x3], $0x2800, $0x38;
	[tilespmem:$0x1EB00] =	vst v63  }
0x33: {  	_ =	swait.ge [sflag:s26], $0x2800  }
0x34: {  	[sflag:s26] =	ssyncset.done $0x0  }
0x35: {  	s19 =	rddreg [dreg:$0xb];
	[sflag:s26] =	ssyncadd.s32 $0xFFFFD800  }
0x36: {  	[spmem:s19] =	stream.linear.scatter [tilespmem:s25], [sflag:$0x3], $0x2800, $0x38;
	[tilespmem:$0x1EB00] =	vst v63  }
0x37: {  	_ =	swait.ge [sflag:s26], $0x2800  }
0x38: {  	[sflag:s26] =	ssyncset.done $0x0  }
0x39: {  	s14 =	rddreg [dreg:$0xc];
	[sflag:s26] =	ssyncadd.s32 $0xFFFFD800  }
0x3a: {  	[spmem:s14] =	stream.linear.scatter [tilespmem:s25], [sflag:$0x3], $0x2800, $0x38;
	[tilespmem:$0x1EB00] =	vst v63  }
0x3b: {  	_ =	swait.ge [sflag:s26], $0x2800  }
0x3c: {  	[sflag:s26] =	ssyncset.done $0x0  }
0x3d: {  	s15 =	rddreg [dreg:$0xd];
	[sflag:s26] =	ssyncadd.s32 $0xFFFFD800  }
0x3e: {  	[spmem:s15] =	stream.linear.scatter [tilespmem:s25], [sflag:$0x3], $0x2800, $0x38;
	[tilespmem:$0x1EB00] =	vst v63  }
0x3f: {  	_ =	swait.ge [sflag:s26], $0x2800  }
0x40: {  	[sflag:s26] =	ssyncset.done $0x0  }
0x41: {  	s17 =	stileid.u32;
	s16 =	rddreg [dreg:$0x10];
	[sflag:s26] =	ssyncadd.s32 $0xFFFFD800  }
0x42: {  	[spmem:s16] =	stream.linear.scatter [tilespmem:s25], [sflag:$0x3], $0x2800, $0x38;
	[tilespmem:$0x1EB00] =	vst v63  }
0x43: {  	s13 =	sshll.u32 s17, $0x6;
	_ =	swait.ge [sflag:s26], $0x2800  }
0x44: {  	s13 =	sor.u32 $0x1C03, s13;
	[sflag:s26] =	ssyncset.done $0x0;
	s14 =	rddreg [dreg:$0x11]  }
0x45: {  	s15 =	rddreg [dreg:$0x7];
	[sflag:s26] =	ssyncadd.s32 $0xFFFFD800;
	s14 =	sshrl.u32 s14, $0x3  }
0x46: {  	[spmem:s14], [sflag:s13] =	dma.local [hbm:s15], $0x50  }
0x47: {  	_ =	swait.ge [sflag:s26], $0x50  }
0x48: {  	[sflag:s26] =	ssyncset.done $0x0  }
0x49: {  	s18 =	rddreg [dreg:$0x12];
	[sflag:s26] =	ssyncadd.s32 $0xFFFFFFB0  }
0x4a: {  	[tilespmem:s28], [sflag:$0x3] =	stream.linear.gather [hbm4b:s18+s5], $0x80, $0x38;
	[tilespmem:$0x1EB00] =	vst v63  }
0x4b: {  	_ =	swait.ge [sflag:s26], $0x80  }
0x4c: {  	[sflag:s26] =	ssyncset.done $0x0  }
0x4d: {  	[sflag:s26] =	ssyncadd.s32 $0xFFFFFF80  }
0x4e: {  	[bflag:$0x0] =	sbarrier.arrive $0xFFFF  }
0x4f: {  	s19 =	rddreg [dreg:$0xe]  }
0x50: {  	[tilespmem:s31], [sflag:$0x3] =	stream.strided.gather [hbm4b:s19+s29], $0x1400, s30, s29, $0x38;
	[tilespmem:$0x1EB00] =	vst v63  }
0x51: {  	_ =	swait.ge [sflag:s26], $0x1400  }
0x52: {  	[sflag:s26] =	ssyncset.done $0x0  }
0x53: {  	[sflag:s26] =	ssyncadd.s32 $0xFFFFEC00  }
0x54: {  	[tilespmem:s0], [sflag:$0x3] =	stream.linear.gather [hbm4b:s20+s5], $0x1400, $0x38;
	[tilespmem:$0x1EB00] =	vst v63  }
0x55: {  	_ =	swait.ge [sflag:s26], $0x1400  }
0x56: {  	[sflag:s26] =	ssyncset.done $0x0  }
0x57: {  	[sflag:s26] =	ssyncadd.s32 $0xFFFFEC00  }
0x58: {  	[tilespmem:s25], [sflag:$0x1] =	stream.indirect.gather [hbm4b:s1+s29], $0x80, s31, s29, $0xb8;
	[tilespmem:$0x1EB00] =	vst v63  }
0x59: {  	s16 =	simm.s32 $0x14300  }
0x5a: {  	[tilespmem:s2], [sflag:$0x2] =	stream.indirect.gather [hbm4b:s1+s29], $0x80, s16, s29, $0xb8;
	[tilespmem:$0x1EB00] =	vst v63  }
0x5b: {  	_ =	swait.ge [sflag:s6], $0x4000  }
0x5c: {  	[sflag:s6] =	ssyncset.done $0x0  }
0x5d: {  	s17 =	simm.s32 $0x15680;
	[sflag:s6] =	ssyncadd.s32 $0xFFFFC000  }
0x5e: {  	[spmem:s3] =	stream.indirect.scatter.add.f32 [tilespmem:s25], [sflag:$0x3], $0x80, s17, s29, $0xb8;
	[tilespmem:$0x1EB00] =	vst v63  }
0x5f: {  	_ =	swait.ge [sflag:s26], $0x4000  }
0x60: {  	[sflag:s26] =	ssyncset.done $0x0  }
0x61: {  	[sflag:s26] =	ssyncadd.s32 $0xFFFFC000  }
0x62: {  	[spmem:s4] =	stream.indirect.scatter.add.f32 [tilespmem:s28], [sflag:$0x3], $0x1, s17, s29, $0xb8;
	[tilespmem:$0x1EB00] =	vst v63  }
0x63: {  	_ =	swait.ge [sflag:s26], $0x80  }
0x64: {  	[sflag:s26] =	ssyncset.done $0x0  }
0x65: {  	s18 =	simm.s32 $0x14380;
	[sflag:s26] =	ssyncadd.s32 $0xFFFFFF80  }
0x66: {  	[tilespmem:s25], [sflag:$0x1] =	stream.indirect.gather [hbm4b:s1+s29], $0x80, s18, s29, $0xb8;
	[tilespmem:$0x1EB00] =	vst v63  }
0x67: {  	_ =	swait.ge [sflag:s7], $0x4000  }
0x68: {  	[sflag:s7] =	ssyncset.done $0x0  }
0x69: {  	s19 =	simm.s32 $0x15700;
	[sflag:s7] =	ssyncadd.s32 $0xFFFFC000  }
0x6a: {  	[spmem:s3] =	stream.indirect.scatter.add.f32 [tilespmem:s2], [sflag:$0x3], $0x80, s19, s29, $0xb8;
	[tilespmem:$0x1EB00] =	vst v63  }
0x6b: {  	_ =	swait.ge [sflag:s26], $0x4000  }
0x6c: {  	[sflag:s26] =	ssyncset.done $0x0  }
0x6d: {  	[sflag:s26] =	ssyncadd.s32 $0xFFFFC000  }
0x6e: {  	[spmem:s4] =	stream.indirect.scatter.add.f32 [tilespmem:s28], [sflag:$0x3], $0x1, s19, s29, $0xb8;
	[tilespmem:$0x1EB00] =	vst v63  }
0x6f: {  	_ =	swait.ge [sflag:s26], $0x80  }
0x70: {  	s15 =	simm.s32 $0x100;
	s16 =	simm.s32 $0x800;
	[sflag:s26] =	ssyncset.done $0x0  }
.LBB2_2:
0x71: {  	s17 =	sadd.s32 $0x14300, s15  }
0x72: {  	[sflag:s26] =	ssyncadd.s32 $0xFFFFFF80;
	s18 =	smov.u32 s16;
	s19 =	sadd.s32 $0x400, s16  }
0x73: {  	[tilespmem:s2], [sflag:$0x2] =	stream.indirect.gather [hbm4b:s1+s29], $0x80, s17, s29, $0xb8;
	[tilespmem:$0x1EB00] =	vst v63  }
0x74: {  	p0 =	sne.s32 s16, $0x4800;
	_ =	swait.ge [sflag:s6], $0x4000  }
0x75: {  	[sflag:s6] =	ssyncset.done $0x0  }
0x76: {  	s16 =	sadd.s32 $0x15680, s15;
	[sflag:s6] =	ssyncadd.s32 $0xFFFFC000  }
0x77: {  	[spmem:s3] =	stream.indirect.scatter.add.f32 [tilespmem:s25], [sflag:$0x3], $0x80, s16, s29, $0xb8;
	[tilespmem:$0x1EB00] =	vst v63  }
0x78: {  	_ =	swait.ge [sflag:s26], $0x4000  }
0x79: {  	[sflag:s26] =	ssyncset.done $0x0  }
0x7a: {  	[sflag:s26] =	ssyncadd.s32 $0xFFFFC000  }
0x7b: {  	[spmem:s4] =	stream.indirect.scatter.add.f32 [tilespmem:s28], [sflag:$0x3], $0x1, s16, s29, $0xb8;
	[tilespmem:$0x1EB00] =	vst v63  }
0x7c: {  	_ =	swait.ge [sflag:s26], $0x80  }
0x7d: {  	[sflag:s26] =	ssyncset.done $0x0  }
0x7e: {  	s16 =	sadd.s32 $0x14380, s15;
	[sflag:s26] =	ssyncadd.s32 $0xFFFFFF80  }
0x7f: {  	[tilespmem:s25], [sflag:$0x1] =	stream.indirect.gather [hbm4b:s1+s29], $0x80, s16, s29, $0xb8;
	[tilespmem:$0x1EB00] =	vst v63  }
0x80: {  	_ =	swait.ge [sflag:s7], $0x4000  }
0x81: {  	[sflag:s7] =	ssyncset.done $0x0  }
0x82: {  	s15 =	sadd.s32 $0x15700, s15;
	[sflag:s7] =	ssyncadd.s32 $0xFFFFC000  }
0x83: {  	[spmem:s3] =	stream.indirect.scatter.add.f32 [tilespmem:s2], [sflag:$0x3], $0x80, s15, s29, $0xb8;
	[tilespmem:$0x1EB00] =	vst v63  }
0x84: {  	_ =	swait.ge [sflag:s26], $0x4000  }
.Ltmp0:
0x85: {  	[sflag:s26] =	ssyncset.done $0x0;
	(pc) =	sbr.rel @p0 .LBB2_2-.Ltmp0, $4  }
0x86: {  	[sflag:s26] =	ssyncadd.s32 $0xFFFFC000  }
0x87: {  	[spmem:s4] =	stream.indirect.scatter.add.f32 [tilespmem:s28], [sflag:$0x3], $0x1, s15, s29, $0xb8;
	[tilespmem:$0x1EB00] =	vst v63  }
0x88: {  	_ =	swait.ge [sflag:s26], $0x80  }
0x89: {  	s16 =	smov.u32 s19;
	s15 =	sshra.s32 s18, $0x2;
	[sflag:s26] =	ssyncset.done $0x0  }
0x8a: {  	s16 =	sadd.s32 $0x14300, s15;
	[sflag:s26] =	ssyncadd.s32 $0xFFFFFF80  }
0x8b: {  	[tilespmem:s2], [sflag:$0x2] =	stream.indirect.gather [hbm4b:s1+s29], $0x80, s16, s29, $0xb8;
	[tilespmem:$0x1EB00] =	vst v63  }
0x8c: {  	_ =	swait.ge [sflag:s6], $0x4000  }
0x8d: {  	[sflag:s6] =	ssyncset.done $0x0  }
0x8e: {  	s18 =	sadd.s32 $0x15680, s15;
	[sflag:s6] =	ssyncadd.s32 $0xFFFFC000  }
0x8f: {  	[spmem:s3] =	stream.indirect.scatter.add.f32 [tilespmem:s25], [sflag:$0x3], $0x80, s18, s29, $0xb8;
	[tilespmem:$0x1EB00] =	vst v63  }
0x90: {  	_ =	swait.ge [sflag:s26], $0x4000  }
0x91: {  	[sflag:s26] =	ssyncset.done $0x0  }
0x92: {  	[sflag:s26] =	ssyncadd.s32 $0xFFFFC000  }
0x93: {  	[spmem:s4] =	stream.indirect.scatter.add.f32 [tilespmem:s28], [sflag:$0x3], $0x1, s18, s29, $0xb8;
	[tilespmem:$0x1EB00] =	vst v63  }
0x94: {  	_ =	swait.ge [sflag:s26], $0x80  }
0x95: {  	[sflag:s26] =	ssyncset.done $0x0  }
0x96: {  	s19 =	sadd.s32 $0x14380, s15;
	[sflag:s26] =	ssyncadd.s32 $0xFFFFFF80  }
0x97: {  	[tilespmem:s25], [sflag:$0x1] =	stream.indirect.gather [hbm4b:s1+s29], $0x80, s19, s29, $0xb8;
	[tilespmem:$0x1EB00] =	vst v63  }
0x98: {  	_ =	swait.ge [sflag:s7], $0x4000  }
0x99: {  	[sflag:s7] =	ssyncset.done $0x0  }
0x9a: {  	s17 =	sadd.s32 $0x15700, s15;
	[sflag:s7] =	ssyncadd.s32 $0xFFFFC000  }
0x9b: {  	[spmem:s3] =	stream.indirect.scatter.add.f32 [tilespmem:s2], [sflag:$0x3], $0x80, s17, s29, $0xb8;
	[tilespmem:$0x1EB00] =	vst v63  }
0x9c: {  	_ =	swait.ge [sflag:s26], $0x4000  }
0x9d: {  	[sflag:s26] =	ssyncset.done $0x0  }
0x9e: {  	[sflag:s26] =	ssyncadd.s32 $0xFFFFC000  }
0x9f: {  	[spmem:s4] =	stream.indirect.scatter.add.f32 [tilespmem:s28], [sflag:$0x3], $0x1, s17, s29, $0xb8;
	[tilespmem:$0x1EB00] =	vst v63  }
0xa0: {  	_ =	swait.ge [sflag:s26], $0x80  }
0xa1: {  	[sflag:s26] =	ssyncset.done $0x0  }
0xa2: {  	[sflag:s26] =	ssyncadd.s32 $0xFFFFFF80  }
0xa3: {  	[tilespmem:s2], [sflag:$0x2] =	stream.indirect.gather [hbm4b:s1+s29], $0x80, s9, s29, $0xb8;
	[tilespmem:$0x1EB00] =	vst v63  }
0xa4: {  	_ =	swait.ge [sflag:s6], $0x4000  }
0xa5: {  	[sflag:s6] =	ssyncset.done $0x0  }
0xa6: {  	[sflag:s6] =	ssyncadd.s32 $0xFFFFC000  }
0xa7: {  	[spmem:s3] =	stream.indirect.scatter.add.f32 [tilespmem:s25], [sflag:$0x3], $0x80, s10, s29, $0xb8;
	[tilespmem:$0x1EB00] =	vst v63  }
0xa8: {  	_ =	swait.ge [sflag:s26], $0x4000  }
0xa9: {  	[sflag:s26] =	ssyncset.done $0x0  }
0xaa: {  	[sflag:s26] =	ssyncadd.s32 $0xFFFFC000  }
0xab: {  	[spmem:s4] =	stream.indirect.scatter.add.f32 [tilespmem:s28], [sflag:$0x3], $0x1, s10, s29, $0xb8;
	[tilespmem:$0x1EB00] =	vst v63  }
0xac: {  	_ =	swait.ge [sflag:s26], $0x80  }
0xad: {  	[sflag:s26] =	ssyncset.done $0x0  }
0xae: {  	[sflag:s26] =	ssyncadd.s32 $0xFFFFFF80  }
0xaf: {  	_ =	swait.ge [sflag:s7], $0x4000  }
0xb0: {  	[sflag:s7] =	ssyncset.done $0x0  }
0xb1: {  	[sflag:s7] =	ssyncadd.s32 $0xFFFFC000  }
0xb2: {  	[spmem:s3] =	stream.indirect.scatter.add.f32 [tilespmem:s2], [sflag:$0x3], $0x80, s11, s29, $0xb8;
	[tilespmem:$0x1EB00] =	vst v63  }
0xb3: {  	_ =	swait.ge [sflag:s26], $0x4000  }
0xb4: {  	[sflag:s26] =	ssyncset.done $0x0  }
0xb5: {  	[sflag:s26] =	ssyncadd.s32 $0xFFFFC000  }
0xb6: {  	[spmem:s4] =	stream.indirect.scatter.add.f32 [tilespmem:s28], [sflag:$0x3], $0x1, s11, s29, $0xb8;
	[tilespmem:$0x1EB00] =	vst v63  }
0xb7: {  	_ =	swait.ge [sflag:s26], $0x80  }
0xb8: {  	[sflag:s26] =	ssyncset.done $0x0  }
0xb9: {  	s18 =	rddreg [dreg:$0xf];
	[sflag:s26] =	ssyncadd.s32 $0xFFFFFF80  }
0xba: {  	[tilespmem:s31], [sflag:$0x3] =	stream.strided.gather [hbm4b:s18+s29], $0x1400, s30, s29, $0x38;
	[tilespmem:$0x1EB00] =	vst v63  }
0xbb: {  	_ =	swait.ge [sflag:s26], $0x1400  }
0xbc: {  	[sflag:s26] =	ssyncset.done $0x0  }
0xbd: {  	s19 =	simm.s32 $0x0;
	[sflag:s26] =	ssyncadd.s32 $0xFFFFEC00  }
0xbe: {  	[tilespmem:s0], [sflag:$0x3] =	stream.linear.gather [hbm4b:s21+s19], $0x1400, $0x38;
	[tilespmem:$0x1EB00] =	vst v63  }
0xbf: {  	_ =	swait.ge [sflag:s26], $0x1400  }
0xc0: {  	[sflag:s26] =	ssyncset.done $0x0  }
0xc1: {  	[sflag:s26] =	ssyncadd.s32 $0xFFFFEC00  }
0xc2: {  	[tilespmem:s25], [sflag:$0x1] =	stream.indirect.gather [hbm4b:s1+s29], $0x80, s31, s29, $0xb8;
	[tilespmem:$0x1EB00] =	vst v63  }
0xc3: {  	s16 =	simm.s32 $0x14300  }
0xc4: {  	[tilespmem:s2], [sflag:$0x2] =	stream.indirect.gather [hbm4b:s1+s29], $0x80, s16, s29, $0xb8;
	[tilespmem:$0x1EB00] =	vst v63  }
0xc5: {  	_ =	swait.ge [sflag:s6], $0x4000  }
0xc6: {  	[sflag:s6] =	ssyncset.done $0x0  }
0xc7: {  	s17 =	simm.s32 $0x15680;
	[sflag:s6] =	ssyncadd.s32 $0xFFFFC000  }
0xc8: {  	[spmem:s3] =	stream.indirect.scatter.add.f32 [tilespmem:s25], [sflag:$0x3], $0x80, s17, s29, $0xb8;
	[tilespmem:$0x1EB00] =	vst v63  }
0xc9: {  	_ =	swait.ge [sflag:s26], $0x4000  }
0xca: {  	[sflag:s26] =	ssyncset.done $0x0  }
0xcb: {  	[sflag:s26] =	ssyncadd.s32 $0xFFFFC000  }
0xcc: {  	[spmem:s4] =	stream.indirect.scatter.add.f32 [tilespmem:s28], [sflag:$0x3], $0x1, s17, s29, $0xb8;
	[tilespmem:$0x1EB00] =	vst v63  }
0xcd: {  	_ =	swait.ge [sflag:s26], $0x80  }
0xce: {  	[sflag:s26] =	ssyncset.done $0x0  }
0xcf: {  	s18 =	simm.s32 $0x14380;
	[sflag:s26] =	ssyncadd.s32 $0xFFFFFF80  }
0xd0: {  	[tilespmem:s25], [sflag:$0x1] =	stream.indirect.gather [hbm4b:s1+s29], $0x80, s18, s29, $0xb8;
	[tilespmem:$0x1EB00] =	vst v63  }
0xd1: {  	_ =	swait.ge [sflag:s7], $0x4000  }
0xd2: {  	[sflag:s7] =	ssyncset.done $0x0  }
0xd3: {  	s19 =	simm.s32 $0x15700;
	[sflag:s7] =	ssyncadd.s32 $0xFFFFC000  }
0xd4: {  	[spmem:s3] =	stream.indirect.scatter.add.f32 [tilespmem:s2], [sflag:$0x3], $0x80, s19, s29, $0xb8;
	[tilespmem:$0x1EB00] =	vst v63  }
0xd5: {  	_ =	swait.ge [sflag:s26], $0x4000  }
0xd6: {  	[sflag:s26] =	ssyncset.done $0x0  }
0xd7: {  	[sflag:s26] =	ssyncadd.s32 $0xFFFFC000  }
0xd8: {  	[spmem:s4] =	stream.indirect.scatter.add.f32 [tilespmem:s28], [sflag:$0x3], $0x1, s19, s29, $0xb8;
	[tilespmem:$0x1EB00] =	vst v63  }
0xd9: {  	_ =	swait.ge [sflag:s26], $0x80  }
0xda: {  	s15 =	simm.s32 $0x100;
	s16 =	simm.s32 $0x800;
	[sflag:s26] =	ssyncset.done $0x0  }
.LBB2_4:
0xdb: {  	s17 =	sadd.s32 $0x14300, s15  }
0xdc: {  	[sflag:s26] =	ssyncadd.s32 $0xFFFFFF80;
	s18 =	smov.u32 s16;
	s19 =	sadd.s32 $0x400, s16  }
0xdd: {  	[tilespmem:s2], [sflag:$0x2] =	stream.indirect.gather [hbm4b:s1+s29], $0x80, s17, s29, $0xb8;
	[tilespmem:$0x1EB00] =	vst v63  }
0xde: {  	p0 =	sne.s32 s16, $0x4800;
	_ =	swait.ge [sflag:s6], $0x4000  }
0xdf: {  	[sflag:s6] =	ssyncset.done $0x0  }
0xe0: {  	s16 =	sadd.s32 $0x15680, s15;
	[sflag:s6] =	ssyncadd.s32 $0xFFFFC000  }
0xe1: {  	[spmem:s3] =	stream.indirect.scatter.add.f32 [tilespmem:s25], [sflag:$0x3], $0x80, s16, s29, $0xb8;
	[tilespmem:$0x1EB00] =	vst v63  }
0xe2: {  	_ =	swait.ge [sflag:s26], $0x4000  }
0xe3: {  	[sflag:s26] =	ssyncset.done $0x0  }
0xe4: {  	[sflag:s26] =	ssyncadd.s32 $0xFFFFC000  }
0xe5: {  	[spmem:s4] =	stream.indirect.scatter.add.f32 [tilespmem:s28], [sflag:$0x3], $0x1, s16, s29, $0xb8;
	[tilespmem:$0x1EB00] =	vst v63  }
0xe6: {  	_ =	swait.ge [sflag:s26], $0x80  }
0xe7: {  	[sflag:s26] =	ssyncset.done $0x0  }
0xe8: {  	s16 =	sadd.s32 $0x14380, s15;
	[sflag:s26] =	ssyncadd.s32 $0xFFFFFF80  }
0xe9: {  	[tilespmem:s25], [sflag:$0x1] =	stream.indirect.gather [hbm4b:s1+s29], $0x80, s16, s29, $0xb8;
	[tilespmem:$0x1EB00] =	vst v63  }
0xea: {  	_ =	swait.ge [sflag:s7], $0x4000  }
0xeb: {  	[sflag:s7] =	ssyncset.done $0x0  }
0xec: {  	s15 =	sadd.s32 $0x15700, s15;
	[sflag:s7] =	ssyncadd.s32 $0xFFFFC000  }
0xed: {  	[spmem:s3] =	stream.indirect.scatter.add.f32 [tilespmem:s2], [sflag:$0x3], $0x80, s15, s29, $0xb8;
	[tilespmem:$0x1EB00] =	vst v63  }
0xee: {  	_ =	swait.ge [sflag:s26], $0x4000  }
.Ltmp1:
0xef: {  	[sflag:s26] =	ssyncset.done $0x0;
	(pc) =	sbr.rel @p0 .LBB2_4-.Ltmp1, $4  }
0xf0: {  	[sflag:s26] =	ssyncadd.s32 $0xFFFFC000  }
0xf1: {  	[spmem:s4] =	stream.indirect.scatter.add.f32 [tilespmem:s28], [sflag:$0x3], $0x1, s15, s29, $0xb8;
	[tilespmem:$0x1EB00] =	vst v63  }
0xf2: {  	_ =	swait.ge [sflag:s26], $0x80  }
0xf3: {  	s16 =	smov.u32 s19;
	s15 =	sshra.s32 s18, $0x2;
	[sflag:s26] =	ssyncset.done $0x0  }
0xf4: {  	s16 =	sadd.s32 $0x14300, s15;
	[sflag:s26] =	ssyncadd.s32 $0xFFFFFF80  }
0xf5: {  	[tilespmem:s2], [sflag:$0x2] =	stream.indirect.gather [hbm4b:s1+s29], $0x80, s16, s29, $0xb8;
	[tilespmem:$0x1EB00] =	vst v63  }
0xf6: {  	_ =	swait.ge [sflag:s6], $0x4000  }
0xf7: {  	[sflag:s6] =	ssyncset.done $0x0  }
0xf8: {  	s19 =	sadd.s32 $0x15680, s15;
	[sflag:s6] =	ssyncadd.s32 $0xFFFFC000  }
0xf9: {  	[spmem:s3] =	stream.indirect.scatter.add.f32 [tilespmem:s25], [sflag:$0x3], $0x80, s19, s29, $0xb8;
	[tilespmem:$0x1EB00] =	vst v63  }
0xfa: {  	_ =	swait.ge [sflag:s26], $0x4000  }
0xfb: {  	[sflag:s26] =	ssyncset.done $0x0  }
0xfc: {  	[sflag:s26] =	ssyncadd.s32 $0xFFFFC000  }
0xfd: {  	[spmem:s4] =	stream.indirect.scatter.add.f32 [tilespmem:s28], [sflag:$0x3], $0x1, s19, s29, $0xb8;
	[tilespmem:$0x1EB00] =	vst v63  }
0xfe: {  	_ =	swait.ge [sflag:s26], $0x80  }
0xff: {  	[sflag:s26] =	ssyncset.done $0x0  }
0x100: {  	s17 =	sadd.s32 $0x14380, s15;
	[sflag:s26] =	ssyncadd.s32 $0xFFFFFF80  }
0x101: {  	[tilespmem:s25], [sflag:$0x1] =	stream.indirect.gather [hbm4b:s1+s29], $0x80, s17, s29, $0xb8;
	[tilespmem:$0x1EB00] =	vst v63  }
0x102: {  	_ =	swait.ge [sflag:s7], $0x4000  }
0x103: {  	[sflag:s7] =	ssyncset.done $0x0  }
0x104: {  	s18 =	sadd.s32 $0x15700, s15;
	[sflag:s7] =	ssyncadd.s32 $0xFFFFC000  }
0x105: {  	[spmem:s3] =	stream.indirect.scatter.add.f32 [tilespmem:s2], [sflag:$0x3], $0x80, s18, s29, $0xb8;
	[tilespmem:$0x1EB00] =	vst v63  }
0x106: {  	_ =	swait.ge [sflag:s26], $0x4000  }
0x107: {  	[sflag:s26] =	ssyncset.done $0x0  }
0x108: {  	[sflag:s26] =	ssyncadd.s32 $0xFFFFC000  }
0x109: {  	[spmem:s4] =	stream.indirect.scatter.add.f32 [tilespmem:s28], [sflag:$0x3], $0x1, s18, s29, $0xb8;
	[tilespmem:$0x1EB00] =	vst v63  }
0x10a: {  	_ =	swait.ge [sflag:s26], $0x80  }
0x10b: {  	[sflag:s26] =	ssyncset.done $0x0  }
0x10c: {  	[sflag:s26] =	ssyncadd.s32 $0xFFFFFF80  }
0x10d: {  	[tilespmem:s2], [sflag:$0x2] =	stream.indirect.gather [hbm4b:s1+s29], $0x80, s9, s29, $0xb8;
	[tilespmem:$0x1EB00] =	vst v63  }
0x10e: {  	_ =	swait.ge [sflag:s6], $0x4000  }
0x10f: {  	[sflag:s6] =	ssyncset.done $0x0  }
0x110: {  	[sflag:s6] =	ssyncadd.s32 $0xFFFFC000  }
0x111: {  	[spmem:s3] =	stream.indirect.scatter.add.f32 [tilespmem:s25], [sflag:$0x3], $0x80, s10, s29, $0xb8;
	[tilespmem:$0x1EB00] =	vst v63  }
0x112: {  	_ =	swait.ge [sflag:s26], $0x4000  }
0x113: {  	[sflag:s26] =	ssyncset.done $0x0  }
0x114: {  	[sflag:s26] =	ssyncadd.s32 $0xFFFFC000  }
0x115: {  	[spmem:s4] =	stream.indirect.scatter.add.f32 [tilespmem:s28], [sflag:$0x3], $0x1, s10, s29, $0xb8;
	[tilespmem:$0x1EB00] =	vst v63  }
0x116: {  	_ =	swait.ge [sflag:s26], $0x80  }
0x117: {  	[sflag:s26] =	ssyncset.done $0x0  }
0x118: {  	[sflag:s26] =	ssyncadd.s32 $0xFFFFFF80  }
0x119: {  	_ =	swait.ge [sflag:s7], $0x4000  }
0x11a: {  	[sflag:s7] =	ssyncset.done $0x0  }
0x11b: {  	[sflag:s7] =	ssyncadd.s32 $0xFFFFC000  }
0x11c: {  	[spmem:s3] =	stream.indirect.scatter.add.f32 [tilespmem:s2], [sflag:$0x3], $0x80, s11, s29, $0xb8;
	[tilespmem:$0x1EB00] =	vst v63  }
0x11d: {  	_ =	swait.ge [sflag:s26], $0x4000  }
0x11e: {  	[sflag:s26] =	ssyncset.done $0x0  }
0x11f: {  	[sflag:s26] =	ssyncadd.s32 $0xFFFFC000  }
0x120: {  	[spmem:s4] =	stream.indirect.scatter.add.f32 [tilespmem:s28], [sflag:$0x3], $0x1, s11, s29, $0xb8;
	[tilespmem:$0x1EB00] =	vst v63  }
0x121: {  	_ =	swait.ge [sflag:s26], $0x80  }
0x122: {  	[sflag:s26] =	ssyncset.done $0x0  }
0x123: {  	[sflag:s26] =	ssyncadd.s32 $0xFFFFFF80  }
0x124: {  	s19 =	sshrl.u32 s8, $0x3;
	[bflag:$0x0] =	sbarrier.arrive $0xFFFF  }
0x125: {  	[hbm:s22], [sflag:s13] =	dma.local [spmem:s19], $0x2800  }
0x126: {  	s12 =	sadd.s32 $0x1, s12;
	_ =	swait.ge [sflag:s26], $0x2800  }
0x127: {  	p0 =	sne.s32 s12, s24;
	[sflag:s26] =	ssyncset.done $0x0  }
.Ltmp2:
0x128: {  	[sflag:s26] =	ssyncadd.s32 $0xFFFFD800;
	(pc) =	sbr.rel @p0 .LBB2_1-.Ltmp2, $4  }
0x129: {  	[hbm:s23], [sflag:s13] =	dma.local [spmem:s14], $0x50  }
0x12a: {  	_ =	swait.ge [sflag:s26], $0x50  }
0x12b: {  	[sflag:s26] =	ssyncset.done $0x0  }
0x12c: {  	[sflag:s26] =	ssyncadd.s32 $0xFFFFFFB0  }
0x12d: {  	_ =	sfence.sel $0x180000  }
0x12e: {  	[bflag:$0x0] =	sbarrier.arrive $0xFFFF  }
0x12f: {  	_ =	strace $0x90000047  }
0x130: {  	s0 =	stileid.u32;
	[bflag:$0x2] =	sbarrier.arrive $0xFFFF  }
0x131: {  	p0 =	sne.s32 s0, $0x0;
	s0 =	rddreg [dreg:$0x5]  }
0x132: {  	s0 =	sadd.s32 @!p0 $0x100000, s0  }
0x133: {  	[sflag:s0] =	ssyncadd.tile.s32 @!p0 $0x1;
	_ =	shalt  }
.Lfunc_end2:
_tile_overlayer_lowered:
.L_overlay_start_2:
0x134: {  	(tag) =	ssettag $0x2  }
0x135: {  	s0 =	rddreg [dreg:$0x0];
	s2 =	stileid.u32  }
0x136: {  	s1 =	rddreg [dreg:$0x1];
	p0 =	sne.s32 s2, $0x0  }
0x137: {  	s3 =	rddreg [dreg:$0x2];
	[bflag:$0x3] =	sbarrier.arrive $0xFFFF;
	s2 =	simm.s32 @!p0 $0x1C03  }
0x138: {  	[timem:s3], [sflag:s2] =	dma.local @!p0 [hbm:s0], s1  }
0x139: {  	s0 =	simm.s32 @!p0 $0x3  }
0x13a: {  	_ =	swait.ge @!p0 [sflag:s0], s1  }
0x13b: {  	s1 =	ssub.s32 @!p0 $0x0, s1;
	[sflag:s0] =	ssyncset.done @!p0 $0x0  }
0x13c: {  	[sflag:s0] =	ssyncadd.s32 @!p0 s1  }
0x13d: {  	[bflag:$0x3] =	sbarrier.arrive $0xFFFF  }
0x13e: {  	_ =	shalt  }

</sc_bundles>
